<compile_context>
chip_gen: v7x
topology: tpu7x:2x2x1
jax: 0.10.2.dev20260603
libtpu: 0.0.44.dev20260713+nightly
codegen_flags: <defaults>
</compile_context>

<pallas_src>
import jax
import jax.numpy as jnp
from jax import lax
from jax.experimental import pallas as pl
from jax.experimental.pallas import tpu as pltpu
from jax.experimental.pallas import tpu_sc as plsc

BS = 32
N_L0 = 4096
N_L1 = 16384
N_W = 4096
ROW = BS * BS
NW = 32
SLOTS_PW = N_L1 // NW
REQ_PW = N_L1 // NW
CK = 32
NCK = SLOTS_PW // CK
GQ = 128
HUGE = 0x7FFFFFFF


def _body(l0_hbm, l1_hbm, map_hbm, bi_hbm, widx_hbm, wv_hbm,
          out_hbm, gh_hbm,
          widx_v, table_v, sbuf_v, cbA, cbB, wb_v,
          bi_v, map_v, ridx_v, offb_v, rows_v, gbuf_v,
          sem_inA, sem_outA, sem_inB, sem_outB, sem_wv, sem_ws, sem_g):
  cid = lax.axis_index("c")
  sid = lax.axis_index("s")
  wid = cid * 16 + sid
  lo = wid * SLOTS_PW
  iota = lax.iota(jnp.int32, 16)

  rbase = wid * REQ_PW
  bi_cp = pltpu.async_copy(bi_hbm.at[pl.ds(rbase * 2, REQ_PW * 2)], bi_v,
                           sem_ws)
  map_cp = pltpu.async_copy(map_hbm, map_v, sem_g)
  pltpu.sync_copy(widx_hbm, widx_v)

  def initt(i, c):
    table_v[pl.ds(i * 16, 16)] = jnp.full((16,), -1, jnp.int32)
    return c
  lax.fori_loop(0, SLOTS_PW // 16, initt, 0)

  start_in_pre = pltpu.async_copy(l1_hbm.at[pl.ds(lo, CK)], cbA, sem_inA)

  iotap1 = jnp.minimum(iota + 1, 15)
  is15 = iota == 15

  def scan_body(v2, c):
    for u in range(4):
      v = v2 * 4 + u
      idx = widx_v[pl.ds(v * 16, 16)]
      rel = idx - lo
      inr = (rel >= 0) & (rel < SLOTS_PW)
      nin = jnp.sum(inr.astype(jnp.int32))

      @pl.when(nin > 0)
      def _():
        j = v * 16 + iota
        comb = jnp.where(inr, rel * 4096 + j, HUGE)
        sk, _ = plsc.sort_key_val(comb, comb)
        sbuf_v[...] = sk
        nxt = plsc.load_gather(sbuf_v, [iotap1])
        keep = ((sk >> 12) != (nxt >> 12)) | is15
        keep = keep & (sk != HUGE)
        srel = jnp.where(keep, sk >> 12, 0)
        plsc.store_scatter(table_v, [srel], sk & 4095, mask=keep)
    return c
  with jax.named_scope("ph_winner"):
    lax.fori_loop(0, N_W // 64, scan_body, 0)

  def fix_chunk(c, cb):
    for g in range(CK // 16):
      jw = table_v[pl.ds(c * CK + g * 16, 16)]
      win = jw >= 0
      nwin = jnp.sum(win.astype(jnp.int32))

      @pl.when(nwin > 0)
      def _():
        jsafe = jnp.where(win, jw, (c * CK + g * 16 + iota) & (N_W - 1))
        pltpu.async_copy(wv_hbm.at[jsafe], wb_v, sem_wv).wait()

        def fix_k(k, cc):
          wk = jnp.sum(jnp.where(iota == k, win.astype(jnp.int32), 0))

          @pl.when(wk > 0)
          def _():
            def mv(r, c2):
              cb[g * 16 + k, pl.ds(r * 16, 16)] = wb_v[k, pl.ds(r * 16, 16)]
              return c2
            lax.fori_loop(0, ROW // 16, mv, 0)
          return cc
        lax.fori_loop(0, 16, fix_k, 0)

  def start_in(c, cb, sem):
    pltpu.async_copy(l1_hbm.at[pl.ds(lo + c * CK, CK)], cb, sem)

  def wait_in(cb, sem):
    pltpu.make_async_copy(l1_hbm.at[pl.ds(0, CK)], cb, sem).wait()

  def start_out(c, cb, sem):
    pltpu.async_copy(cb, out_hbm.at[pl.ds(lo + c * CK, CK)], sem)

  def wait_out(cb, sem):
    pltpu.make_async_copy(cb, out_hbm.at[pl.ds(0, CK)], sem).wait()

  def pair_body(p, c):
    start_in(2 * p + 1, cbB, sem_inB)
    wait_in(cbA, sem_inA)
    fix_chunk(2 * p, cbA)
    start_out(2 * p, cbA, sem_outA)
    wait_in(cbB, sem_inB)
    fix_chunk(2 * p + 1, cbB)
    start_out(2 * p + 1, cbB, sem_outB)
    wait_out(cbA, sem_outA)

    @pl.when(p < NCK // 2 - 1)
    def _():
      start_in(2 * p + 2, cbA, sem_inA)
    wait_out(cbB, sem_outB)
    return c

  with jax.named_scope("ph_copy"):
    lax.fori_loop(0, NCK // 2, pair_body, 0)

  bi_cp.wait()
  map_cp.wait()

  def ridx_body(v, c):
    b0 = plsc.load_gather(bi_v, [(v * 16 + iota) * 2])
    b1 = plsc.load_gather(bi_v, [(v * 16 + iota) * 2 + 1])
    c0 = b0 * 16 - 1
    cb0 = c0 >> 5
    off0 = c0 & 31
    cb1 = b1 >> 1
    act = plsc.load_gather(map_v, [cb0 * 64 + cb1])
    ridx_v[pl.ds(v * 16, 16)] = act * 8 + (off0 >> 2)
    offb_v[pl.ds(v * 16, 16)] = (off0 & 3) * 32 + (b1 & 1) * 16
    return c
  with jax.named_scope("ph_ridx"):
    lax.fori_loop(0, REQ_PW // 16, ridx_body, 0)

  def quarter(q, c):
    pltpu.async_copy(l0_hbm.at[ridx_v.at[pl.ds(q * GQ, GQ)]],
                     rows_v, sem_g).wait()

    def ex_body(k, cc):
      fk = jnp.zeros((16,), jnp.int32) + k
      off = plsc.load_gather(offb_v, [fk + q * GQ])
      r = plsc.load_gather(rows_v, [fk, off + iota])
      plsc.store_scatter(gbuf_v, [fk, iota * 2], r)
      plsc.store_scatter(gbuf_v, [fk, iota * 2 + 1], r)
      return cc
    lax.fori_loop(0, GQ, ex_body, 0)
    pltpu.sync_copy(gbuf_v, gh_hbm.at[pl.ds(rbase + q * GQ, GQ)])
    return c
  with jax.named_scope("ph_ghost"):
    lax.fori_loop(0, REQ_PW // GQ, quarter, 0)


def _make_call():
  mesh = plsc.VectorSubcoreMesh(core_axis_name="c", subcore_axis_name="s")
  return pl.kernel(
      _body,
      out_type=(
          jax.ShapeDtypeStruct((N_L1, ROW), jnp.float32),
          jax.ShapeDtypeStruct((N_L1, BS), jnp.float32),
      ),
      mesh=mesh,
      compiler_params=pltpu.CompilerParams(needs_layout_passes=False),
      scratch_types=[
          pltpu.VMEM((N_W,), jnp.int32),
          pltpu.VMEM((SLOTS_PW,), jnp.int32),
          pltpu.VMEM((16,), jnp.int32),
          pltpu.VMEM((CK, ROW), jnp.float32),
          pltpu.VMEM((CK, ROW), jnp.float32),
          pltpu.VMEM((16, ROW), jnp.float32),
          pltpu.VMEM((REQ_PW * 2,), jnp.int32),
          pltpu.VMEM((N_L0,), jnp.int32),
          pltpu.VMEM((REQ_PW,), jnp.int32),
          pltpu.VMEM((REQ_PW,), jnp.int32),
          pltpu.VMEM((GQ, 128), jnp.float32),
          pltpu.VMEM((GQ, BS), jnp.float32),
          pltpu.SemaphoreType.DMA,
          pltpu.SemaphoreType.DMA,
          pltpu.SemaphoreType.DMA,
          pltpu.SemaphoreType.DMA,
          pltpu.SemaphoreType.DMA,
          pltpu.SemaphoreType.DMA,
          pltpu.SemaphoreType.DMA,
      ],
  )


_sc_call = _make_call()


@jax.jit
def kernel(level0_values, level1_values, block_index_map0, block_idx1,
           write_idx, write_vals):
  l0r = level0_values.reshape(N_L0 * 8, 128)
  l1r = level1_values.reshape(N_L1, ROW)
  wvr = write_vals.reshape(N_W, ROW)
  map0 = block_index_map0.reshape(N_L0)
  bi = block_idx1.reshape(N_L1 * 2)
  lv1, gh = _sc_call(l0r, l1r, map0, bi, write_idx, wvr)
  return lv1.reshape(N_L1, BS, BS), gh.reshape(N_L1, 1, BS)

# --- scband reference (transcript-rebuilt; emitter-appended) ---
"""Pipeline reference for scband-amrgrid-12292196402037 (READ-ONLY COPY).

The authoritative reference and input builder live on the scoring server;
editing this copy changes nothing except your own understanding.
"""

import jax, jax.numpy as jnp
import numpy as np

BS = 32
N_COARSE_BLOCKS_PER_DIM = 64   # level-0 block_array_shape = L0_shape/block_shape = 2048/32
N_FINE_BLOCKS_PER_DIM = 128    # level-1 block_array_shape = 4096/32
N_ACTIVE0 = N_COARSE_BLOCKS_PER_DIM ** 2   # 4096 active coarse blocks (fully refined map)
N_ACTIVE1 = N_FINE_BLOCKS_PER_DIM ** 2     # 16384 active fine blocks
N_WRITE = 4096


def setup_inputs(seed: int = 0) -> dict:
    key = jax.random.key(seed)
    k1, k2, k3, k4, k5 = jax.random.split(key, 5)
    level0_values = jax.random.normal(k1, (N_ACTIVE0, BS, BS), dtype=jnp.float32)
    level1_values = jax.random.normal(k2, (N_ACTIVE1, BS, BS), dtype=jnp.float32)
    # block_index_map for level 0: every coarse block is active, slot id = arange
    block_index_map0 = jnp.arange(N_ACTIVE0, dtype=jnp.int32).reshape(
        N_COARSE_BLOCKS_PER_DIM, N_COARSE_BLOCKS_PER_DIM)
    # level-1 block indices whose LEFT (dim 0) ghost cells we request; clamp dim-0
    # index to >= 1 so the request is interior (matches ghost_cells_interior path)
    bi = jax.random.randint(k3, (N_ACTIVE1, 2), 0, N_FINE_BLOCKS_PER_DIM)
    block_idx1 = bi.at[:, 0].set(jnp.clip(bi[:, 0], 1, N_FINE_BLOCKS_PER_DIM - 1)).astype(jnp.int32)
    # scatter-update of the fine-level active-block storage (with_block_active-style write)
    write_idx = jax.random.randint(k4, (N_WRITE,), 0, N_ACTIVE1).astype(jnp.int32)
    write_vals = jax.random.normal(k5, (N_WRITE, BS, BS), dtype=jnp.float32)
    return {
        "level0_values": level0_values,
        "level1_values": level1_values,
        "block_index_map0": block_index_map0,
        "block_idx1": block_idx1,
        "write_idx": write_idx,
        "write_vals": write_vals,
    }


def reference(level0_values, level1_values, block_index_map0, block_idx1, write_idx, write_vals):
    # 1) scatter-overwrite new block data into fine-level active storage
    lv1 = level1_values.at[write_idx].set(write_vals)

    col = jnp.arange(BS)

    # 2) ghost_cells_interior for level_idx=1, dim=0, direction='left':
    #    gather ghost values from the coarse level (level 0) via block_index_map
    def ghost_one(bidx):
        block_origin0 = bidx[0] * BS
        block_origin1 = bidx[1] * BS
        # fine ghost cell indices: rel = -1 along dim 0, arange(BS) along dim 1
        g0 = block_origin0 - 1
        g1 = block_origin1 + col
        # decimate by 2**(level_idx - coarse_level_idx) = 2
        c0 = g0 // 2
        c1 = g1 // 2
        # coarse block index and origin
        cb0 = c0 // BS
        cb1 = c1[0] // BS
        active = block_index_map0[cb0, cb1]
        # offsets of ghost cells within the coarse block
        off0 = c0 - cb0 * BS
        off1 = c1 - cb1 * BS
        coarse_block = level0_values[active]          # gather block [BS, BS]
        ghost = coarse_block[off0, off1]              # gather row [BS]
        ghost = jnp.where(active == -1, jnp.zeros_like(ghost), ghost)
        return ghost.reshape(1, BS)

    ghosts = jax.vmap(ghost_one)(block_idx1)          # [N_ACTIVE1, 1, BS]
    return lv1, ghosts


if False:  # reference __main__ guard neutralized (emitter)
    out = reference(**setup_inputs())
    print(out[0].shape, out[1].shape)

if __name__ == "__main__":
    import jax
    _d = setup_inputs()
    print(jax.jit(kernel)(*tuple(_d.values())))

</pallas_src>

<mosaic_0001>
#map = affine_map<(d0, d1) -> (0, 0)>
#map1 = affine_map<(d0, d1) -> (0)>
module attributes {stable_mosaic.version = 14 : i64} {
  func.func @_body(%arg0: i32, %arg1: i32, %arg2: memref<32768x128xf32, #tpu.memory_space<hbm>>, %arg3: memref<16384x1024xf32, #tpu.memory_space<hbm>>, %arg4: memref<4096xi32, #tpu.memory_space<hbm>>, %arg5: memref<32768xi32, #tpu.memory_space<hbm>>, %arg6: memref<4096xi32, #tpu.memory_space<hbm>>, %arg7: memref<4096x1024xf32, #tpu.memory_space<hbm>>, %arg8: memref<16384x1024xf32, #tpu.memory_space<hbm>>, %arg9: memref<16384x32xf32, #tpu.memory_space<hbm>>, %arg10: memref<4096xi32, #tpu.memory_space<vmem>>, %arg11: memref<512xi32, #tpu.memory_space<vmem>>, %arg12: memref<16xi32, #tpu.memory_space<vmem>>, %arg13: memref<32x1024xf32, #tpu.memory_space<vmem>>, %arg14: memref<32x1024xf32, #tpu.memory_space<vmem>>, %arg15: memref<16x1024xf32, #tpu.memory_space<vmem>>, %arg16: memref<1024xi32, #tpu.memory_space<vmem>>, %arg17: memref<4096xi32, #tpu.memory_space<vmem>>, %arg18: memref<512xi32, #tpu.memory_space<vmem>>, %arg19: memref<512xi32, #tpu.memory_space<vmem>>, %arg20: memref<128x128xf32, #tpu.memory_space<vmem>>, %arg21: memref<128x32xf32, #tpu.memory_space<vmem>>, %arg22: memref<!tpu.dma_semaphore, #tpu.memory_space<semaphore_mem>>, %arg23: memref<!tpu.dma_semaphore, #tpu.memory_space<semaphore_mem>>, %arg24: memref<!tpu.dma_semaphore, #tpu.memory_space<semaphore_mem>>, %arg25: memref<!tpu.dma_semaphore, #tpu.memory_space<semaphore_mem>>, %arg26: memref<!tpu.dma_semaphore, #tpu.memory_space<semaphore_mem>>, %arg27: memref<!tpu.dma_semaphore, #tpu.memory_space<semaphore_mem>>, %arg28: memref<!tpu.dma_semaphore, #tpu.memory_space<semaphore_mem>>) attributes {dimension_semantics = [#tpu.dimension_semantics<core_parallel>, #tpu.dimension_semantics<subcore_parallel>], iteration_bounds = array<i64: 2, 16>, scalar_prefetch = 0 : i64, scratch_operands = 19 : i64, tpu.core_type = #tpu.core_type<sc_vector_subcore>, window_params = [{transform_indices = #map}, {transform_indices = #map}, {transform_indices = #map1}, {transform_indices = #map1}, {transform_indices = #map1}, {transform_indices = #map}, {transform_indices = #map}, {transform_indices = #map}]} {
    %mul3A = arith.constant 16 : i32
    %mul3A_0 = arith.muli %arg0, %mul3A : i32
    %add3A = arith.addi %mul3A_0, %arg1 : i32
    %mul3A_1 = arith.constant 512 : i32
    %mul3A_2 = arith.muli %add3A, %mul3A_1 : i32
    %iota3A = tpu.iota {dimensions = array<i32: 0>} : vector<16xi32>
    %mul3A_3 = arith.constant 512 : i32
    %mul3A_4 = arith.muli %add3A, %mul3A_3 : i32
    %mul3A_5 = arith.constant 2 : i32
    %mul3A_6 = arith.muli %mul3A_4, %mul3A_5 : i32
    %dma_start3A = tpu.memref_slice %arg5[%mul3A_6] : memref<32768xi32, #tpu.memory_space<hbm>> -> memref<1024xi32, #tpu.memory_space<hbm>>
    %dma_start3A_7 = tpu.memref_slice %arg5[%mul3A_6] : memref<32768xi32, #tpu.memory_space<hbm>> -> memref<1024xi32, #tpu.memory_space<hbm>>
    tpu.enqueue_dma source(%dma_start3A_7 : memref<1024xi32, #tpu.memory_space<hbm>>) target(%arg16 : memref<1024xi32, #tpu.memory_space<vmem>>) target_semaphore(%arg27 : memref<!tpu.dma_semaphore, #tpu.memory_space<semaphore_mem>>)
    tpu.enqueue_dma source(%arg4 : memref<4096xi32, #tpu.memory_space<hbm>>) target(%arg17 : memref<4096xi32, #tpu.memory_space<vmem>>) target_semaphore(%arg28 : memref<!tpu.dma_semaphore, #tpu.memory_space<semaphore_mem>>)
    "tpu.region"() ({
      %run_scoped3A = tpu.sem_alloc : memref<!tpu.dma_semaphore, #tpu.memory_space<semaphore_mem>>
      tpu.enqueue_dma source(%arg6 : memref<4096xi32, #tpu.memory_space<hbm>>) target(%arg10 : memref<4096xi32, #tpu.memory_space<vmem>>) target_semaphore(%run_scoped3A : memref<!tpu.dma_semaphore, #tpu.memory_space<semaphore_mem>>)
      tpu.wait_dma2 semaphore(%run_scoped3A : memref<!tpu.dma_semaphore, #tpu.memory_space<semaphore_mem>>) src(%arg6 : memref<4096xi32, #tpu.memory_space<hbm>>) dst(%arg10 : memref<4096xi32, #tpu.memory_space<vmem>>)
      tpu.yield
    }) : () -> ()
    %scan3A = arith.constant 0 : i32
    %scan3A_8 = arith.constant 0 : i32
    %scan3A_9 = arith.constant 32 : i32
    %scan3A_10 = arith.addi %scan3A_8, %scan3A_9 : i32
    %scan3A_11 = arith.constant 1 : i32
    scf.for %scan3A_49 = %scan3A_8 to %scan3A_10 step %scan3A_11  : i32 {
      %broadcast_in_dim3A = arith.constant -1 : i32
      %broadcast_in_dim3A_50 = vector.broadcast %broadcast_in_dim3A : i32 to vector<16xi32>
      %mul3A_51 = arith.constant 16 : i32
      %mul3A_52 = arith.muli %scan3A_49, %mul3A_51 : i32
      %swap3A = arith.index_cast %mul3A_52 : i32 to index
      %swap3A_53 = tpu.vector_load %arg11[%swap3A] {strides = array<i32>} : memref<512xi32, #tpu.memory_space<vmem>>, vector<16xi32>,
      tpu.vector_store %arg11[%swap3A], %broadcast_in_dim3A_50 {strides = array<i32>} : memref<512xi32, #tpu.memory_space<vmem>>, vector<16xi32>,
    }
    %scan3A_12 = arith.constant 32 : i32
    %dma_start3A_13 = arith.constant 0 : i32
    %dma_start3A_14 = tpu.memref_slice %arg3[%mul3A_2, %dma_start3A_13] : memref<16384x1024xf32, #tpu.memory_space<hbm>> -> memref<32x1024xf32, #tpu.memory_space<hbm>>
    %dma_start3A_15 = arith.constant 0 : i32
    %dma_start3A_16 = tpu.memref_slice %arg3[%mul3A_2, %dma_start3A_15] : memref<16384x1024xf32, #tpu.memory_space<hbm>> -> memref<32x1024xf32, #tpu.memory_space<hbm>>
    tpu.enqueue_dma source(%dma_start3A_16 : memref<32x1024xf32, #tpu.memory_space<hbm>>) target(%arg13 : memref<32x1024xf32, #tpu.memory_space<vmem>>) target_semaphore(%arg22 : memref<!tpu.dma_semaphore, #tpu.memory_space<semaphore_mem>>)
    %add3A_17 = arith.constant 1 : i32
    %add3A_18 = vector.broadcast %add3A_17 : i32 to vector<16xi32>
    %add3A_19 = arith.addi %iota3A, %add3A_18 : vector<16xi32>
    %min3A = arith.constant 15 : i32
    %min3A_20 = vector.broadcast %min3A : i32 to vector<16xi32>
    %min3A_21 = arith.minsi %add3A_19, %min3A_20 : vector<16xi32>
    %eq3A = arith.constant 15 : i32
    %eq3A_22 = vector.broadcast %eq3A : i32 to vector<16xi32>
    %eq3A_23 = arith.cmpi eq, %iota3A, %eq3A_22 : vector<16xi32>
    "tpu.trace_start"() <{level = 10 : i32, message = "ph_winner"}> : () -> ()
    %scan3A_24 = arith.constant 0 : i32
    %scan3A_25 = arith.constant 0 : i32
    %scan3A_26 = arith.constant 64 : i32
    %scan3A_27 = arith.addi %scan3A_25, %scan3A_26 : i32
    %scan3A_28 = arith.constant 1 : i32
    scf.for %scan3A_49 = %scan3A_25 to %scan3A_27 step %scan3A_28  : i32 {
      %mul3A_50 = arith.constant 4 : i32
      %mul3A_51 = arith.muli %scan3A_49, %mul3A_50 : i32
      %add3A_52 = arith.constant 0 : i32
      %add3A_53 = arith.addi %mul3A_51, %add3A_52 : i32
      %mul3A_54 = arith.constant 16 : i32
      %mul3A_55 = arith.muli %add3A_53, %mul3A_54 : i32
      %get3A = arith.index_cast %mul3A_55 : i32 to index
      %get3A_56 = tpu.vector_load %arg10[%get3A] {strides = array<i32>} : memref<4096xi32, #tpu.memory_space<vmem>>, vector<16xi32>,
      %sub3A = vector.broadcast %mul3A_2 : i32 to vector<16xi32>
      %sub3A_57 = arith.subi %get3A_56, %sub3A : vector<16xi32>
      %ge3A = arith.constant 0 : i32
      %ge3A_58 = vector.broadcast %ge3A : i32 to vector<16xi32>
      %ge3A_59 = arith.cmpi sge, %sub3A_57, %ge3A_58 : vector<16xi32>
      %lt3A = arith.constant 512 : i32
      %lt3A_60 = vector.broadcast %lt3A : i32 to vector<16xi32>
      %lt3A_61 = arith.cmpi slt, %sub3A_57, %lt3A_60 : vector<16xi32>
      %and3A = arith.andi %ge3A_59, %lt3A_61 : vector<16xi1>
      %convert_element_type3A = arith.extui %and3A : vector<16xi1> to vector<16xi32>
      %reduce_sum3A = arith.constant true
      %reduce_sum3A_62 = vector.broadcast %reduce_sum3A : i1 to vector<16xi1>
      %reduce_sum3A_63 = tpu.scan <sum>, %convert_element_type3A masked %reduce_sum3A_62 : vector<16xi32>, vector<16xi1> -> vector<16xi32>
      %reduce_sum3A_64 = vector.extract %reduce_sum3A_63[15] : i32 from vector<16xi32>
      %gt3A = arith.constant 0 : i32
      %gt3A_65 = arith.cmpi sgt, %reduce_sum3A_64, %gt3A : i32
      %convert_element_type3A_66 = arith.extui %gt3A_65 : i1 to i32
      %cond3A = arith.constant 0 : i32
      %cond3A_67 = arith.cmpi ne, %convert_element_type3A_66, %cond3A : i32
      scf.if %cond3A_67 {
        %mul3A_149 = arith.constant 16 : i32
        %mul3A_150 = arith.muli %add3A_53, %mul3A_149 : i32
        %add3A_151 = vector.broadcast %mul3A_150 : i32 to vector<16xi32>
        %add3A_152 = arith.addi %add3A_151, %iota3A : vector<16xi32>
        %mul3A_153 = arith.constant 4096 : i32
        %mul3A_154 = vector.broadcast %mul3A_153 : i32 to vector<16xi32>
        %mul3A_155 = arith.muli %sub3A_57, %mul3A_154 : vector<16xi32>
        %add3A_156 = arith.addi %mul3A_155, %add3A_152 : vector<16xi32>
        %jit3A = arith.constant 2147483647 : i32
        %broadcast_in_dim3A = vector.broadcast %jit3A : i32 to vector<16xi32>
        %select_n3A = arith.select %and3A, %add3A_156, %broadcast_in_dim3A : vector<16xi1>, vector<16xi32>
        %masked_sort3A = arith.constant dense<true> : vector<16xi1>
        %masked_sort3A_157 = arith.constant -2147483648 : i32
        %masked_sort3A_158 = vector.broadcast %masked_sort3A_157 : i32 to vector<16xi32>
        %masked_sort3A_159 = arith.xori %select_n3A, %masked_sort3A_158 : vector<16xi32>
        %masked_sort3A_160, %masked_sort3A_161, %masked_sort3A_162 = tpu.sort %masked_sort3A_159, %select_n3A masked %masked_sort3A : (vector<16xi32>, vector<16xi32>, vector<16xi1>) -> (vector<16xi1>, vector<16xi32>, vector<16xi32>)
        %masked_sort3A_163 = arith.xori %masked_sort3A_161, %masked_sort3A_158 : vector<16xi32>
        %swap3A = arith.constant 0 : index
        %swap3A_164 = tpu.vector_load %arg12[%swap3A] {strides = array<i32>} : memref<16xi32, #tpu.memory_space<vmem>>, vector<16xi32>,
        tpu.vector_store %arg12[%swap3A], %masked_sort3A_163 {strides = array<i32>} : memref<16xi32, #tpu.memory_space<vmem>>, vector<16xi32>,
        %gather3A = tpu.vector_load_idx %arg12[%min3A_21] : memref<16xi32, #tpu.memory_space<vmem>>[vector<16xi32>], vector<16xi32>,
        %shift_right_arithmetic3A = arith.constant 12 : i32
        %shift_right_arithmetic3A_165 = vector.broadcast %shift_right_arithmetic3A : i32 to vector<16xi32>
        %shift_right_arithmetic3A_166 = arith.shrsi %masked_sort3A_163, %shift_right_arithmetic3A_165 : vector<16xi32>
        %shift_right_arithmetic3A_167 = arith.constant 12 : i32
        %shift_right_arithmetic3A_168 = vector.broadcast %shift_right_arithmetic3A_167 : i32 to vector<16xi32>
        %shift_right_arithmetic3A_169 = arith.shrsi %gather3A, %shift_right_arithmetic3A_168 : vector<16xi32>
        %ne3A = arith.cmpi ne, %shift_right_arithmetic3A_166, %shift_right_arithmetic3A_169 : vector<16xi32>
        %or3A = arith.ori %ne3A, %eq3A_23 : vector<16xi1>
        %ne3A_170 = arith.constant 2147483647 : i32
        %ne3A_171 = vector.broadcast %ne3A_170 : i32 to vector<16xi32>
        %ne3A_172 = arith.cmpi ne, %masked_sort3A_163, %ne3A_171 : vector<16xi32>
        %and3A_173 = arith.andi %or3A, %ne3A_172 : vector<16xi1>
        %shift_right_arithmetic3A_174 = arith.constant 12 : i32
        %shift_right_arithmetic3A_175 = vector.broadcast %shift_right_arithmetic3A_174 : i32 to vector<16xi32>
        %shift_right_arithmetic3A_176 = arith.shrsi %masked_sort3A_163, %shift_right_arithmetic3A_175 : vector<16xi32>
        %jit3A_177 = arith.constant 0 : i32
        %broadcast_in_dim3A_178 = vector.broadcast %jit3A_177 : i32 to vector<16xi32>
        %select_n3A_179 = arith.select %and3A_173, %shift_right_arithmetic3A_176, %broadcast_in_dim3A_178 : vector<16xi1>, vector<16xi32>
        %and3A_180 = arith.constant 4095 : i32
        %and3A_181 = vector.broadcast %and3A_180 : i32 to vector<16xi32>
        %and3A_182 = arith.andi %masked_sort3A_163, %and3A_181 : vector<16xi32>
        tpu.vector_store_idx %arg11[%select_n3A_179], %and3A_182 masked %and3A_173 : memref<512xi32, #tpu.memory_space<vmem>>[vector<16xi32>], vector<16xi32>, vector<16xi1>
      } else {
      }
      %mul3A_68 = arith.constant 4 : i32
      %mul3A_69 = arith.muli %scan3A_49, %mul3A_68 : i32
      %add3A_70 = arith.constant 1 : i32
      %add3A_71 = arith.addi %mul3A_69, %add3A_70 : i32
      %mul3A_72 = arith.constant 16 : i32
      %mul3A_73 = arith.muli %add3A_71, %mul3A_72 : i32
      %get3A_74 = arith.index_cast %mul3A_73 : i32 to index
      %get3A_75 = tpu.vector_load %arg10[%get3A_74] {strides = array<i32>} : memref<4096xi32, #tpu.memory_space<vmem>>, vector<16xi32>,
      %sub3A_76 = vector.broadcast %mul3A_2 : i32 to vector<16xi32>
      %sub3A_77 = arith.subi %get3A_75, %sub3A_76 : vector<16xi32>
      %ge3A_78 = arith.constant 0 : i32
      %ge3A_79 = vector.broadcast %ge3A_78 : i32 to vector<16xi32>
      %ge3A_80 = arith.cmpi sge, %sub3A_77, %ge3A_79 : vector<16xi32>
      %lt3A_81 = arith.constant 512 : i32
      %lt3A_82 = vector.broadcast %lt3A_81 : i32 to vector<16xi32>
      %lt3A_83 = arith.cmpi slt, %sub3A_77, %lt3A_82 : vector<16xi32>
      %and3A_84 = arith.andi %ge3A_80, %lt3A_83 : vector<16xi1>
      %convert_element_type3A_85 = arith.extui %and3A_84 : vector<16xi1> to vector<16xi32>
      %reduce_sum3A_86 = arith.constant true
      %reduce_sum3A_87 = vector.broadcast %reduce_sum3A_86 : i1 to vector<16xi1>
      %reduce_sum3A_88 = tpu.scan <sum>, %convert_element_type3A_85 masked %reduce_sum3A_87 : vector<16xi32>, vector<16xi1> -> vector<16xi32>
      %reduce_sum3A_89 = vector.extract %reduce_sum3A_88[15] : i32 from vector<16xi32>
      %gt3A_90 = arith.constant 0 : i32
      %gt3A_91 = arith.cmpi sgt, %reduce_sum3A_89, %gt3A_90 : i32
      %convert_element_type3A_92 = arith.extui %gt3A_91 : i1 to i32
      %cond3A_93 = arith.constant 0 : i32
      %cond3A_94 = arith.cmpi ne, %convert_element_type3A_92, %cond3A_93 : i32
      scf.if %cond3A_94 {
        %mul3A_149 = arith.constant 16 : i32
        %mul3A_150 = arith.muli %add3A_71, %mul3A_149 : i32
        %add3A_151 = vector.broadcast %mul3A_150 : i32 to vector<16xi32>
        %add3A_152 = arith.addi %add3A_151, %iota3A : vector<16xi32>
        %mul3A_153 = arith.constant 4096 : i32
        %mul3A_154 = vector.broadcast %mul3A_153 : i32 to vector<16xi32>
        %mul3A_155 = arith.muli %sub3A_77, %mul3A_154 : vector<16xi32>
        %add3A_156 = arith.addi %mul3A_155, %add3A_152 : vector<16xi32>
        %jit3A = arith.constant 2147483647 : i32
        %broadcast_in_dim3A = vector.broadcast %jit3A : i32 to vector<16xi32>
        %select_n3A = arith.select %and3A_84, %add3A_156, %broadcast_in_dim3A : vector<16xi1>, vector<16xi32>
        %masked_sort3A = arith.constant dense<true> : vector<16xi1>
        %masked_sort3A_157 = arith.constant -2147483648 : i32
        %masked_sort3A_158 = vector.broadcast %masked_sort3A_157 : i32 to vector<16xi32>
        %masked_sort3A_159 = arith.xori %select_n3A, %masked_sort3A_158 : vector<16xi32>
        %masked_sort3A_160, %masked_sort3A_161, %masked_sort3A_162 = tpu.sort %masked_sort3A_159, %select_n3A masked %masked_sort3A : (vector<16xi32>, vector<16xi32>, vector<16xi1>) -> (vector<16xi1>, vector<16xi32>, vector<16xi32>)
        %masked_sort3A_163 = arith.xori %masked_sort3A_161, %masked_sort3A_158 : vector<16xi32>
        %swap3A = arith.constant 0 : index
        %swap3A_164 = tpu.vector_load %arg12[%swap3A] {strides = array<i32>} : memref<16xi32, #tpu.memory_space<vmem>>, vector<16xi32>,
        tpu.vector_store %arg12[%swap3A], %masked_sort3A_163 {strides = array<i32>} : memref<16xi32, #tpu.memory_space<vmem>>, vector<16xi32>,
        %gather3A = tpu.vector_load_idx %arg12[%min3A_21] : memref<16xi32, #tpu.memory_space<vmem>>[vector<16xi32>], vector<16xi32>,
        %shift_right_arithmetic3A = arith.constant 12 : i32
        %shift_right_arithmetic3A_165 = vector.broadcast %shift_right_arithmetic3A : i32 to vector<16xi32>
        %shift_right_arithmetic3A_166 = arith.shrsi %masked_sort3A_163, %shift_right_arithmetic3A_165 : vector<16xi32>
        %shift_right_arithmetic3A_167 = arith.constant 12 : i32
        %shift_right_arithmetic3A_168 = vector.broadcast %shift_right_arithmetic3A_167 : i32 to vector<16xi32>
        %shift_right_arithmetic3A_169 = arith.shrsi %gather3A, %shift_right_arithmetic3A_168 : vector<16xi32>
        %ne3A = arith.cmpi ne, %shift_right_arithmetic3A_166, %shift_right_arithmetic3A_169 : vector<16xi32>
        %or3A = arith.ori %ne3A, %eq3A_23 : vector<16xi1>
        %ne3A_170 = arith.constant 2147483647 : i32
        %ne3A_171 = vector.broadcast %ne3A_170 : i32 to vector<16xi32>
        %ne3A_172 = arith.cmpi ne, %masked_sort3A_163, %ne3A_171 : vector<16xi32>
        %and3A_173 = arith.andi %or3A, %ne3A_172 : vector<16xi1>
        %shift_right_arithmetic3A_174 = arith.constant 12 : i32
        %shift_right_arithmetic3A_175 = vector.broadcast %shift_right_arithmetic3A_174 : i32 to vector<16xi32>
        %shift_right_arithmetic3A_176 = arith.shrsi %masked_sort3A_163, %shift_right_arithmetic3A_175 : vector<16xi32>
        %jit3A_177 = arith.constant 0 : i32
        %broadcast_in_dim3A_178 = vector.broadcast %jit3A_177 : i32 to vector<16xi32>
        %select_n3A_179 = arith.select %and3A_173, %shift_right_arithmetic3A_176, %broadcast_in_dim3A_178 : vector<16xi1>, vector<16xi32>
        %and3A_180 = arith.constant 4095 : i32
        %and3A_181 = vector.broadcast %and3A_180 : i32 to vector<16xi32>
        %and3A_182 = arith.andi %masked_sort3A_163, %and3A_181 : vector<16xi32>
        tpu.vector_store_idx %arg11[%select_n3A_179], %and3A_182 masked %and3A_173 : memref<512xi32, #tpu.memory_space<vmem>>[vector<16xi32>], vector<16xi32>, vector<16xi1>
      } else {
      }
      %mul3A_95 = arith.constant 4 : i32
      %mul3A_96 = arith.muli %scan3A_49, %mul3A_95 : i32
      %add3A_97 = arith.constant 2 : i32
      %add3A_98 = arith.addi %mul3A_96, %add3A_97 : i32
      %mul3A_99 = arith.constant 16 : i32
      %mul3A_100 = arith.muli %add3A_98, %mul3A_99 : i32
      %get3A_101 = arith.index_cast %mul3A_100 : i32 to index
      %get3A_102 = tpu.vector_load %arg10[%get3A_101] {strides = array<i32>} : memref<4096xi32, #tpu.memory_space<vmem>>, vector<16xi32>,
      %sub3A_103 = vector.broadcast %mul3A_2 : i32 to vector<16xi32>
      %sub3A_104 = arith.subi %get3A_102, %sub3A_103 : vector<16xi32>
      %ge3A_105 = arith.constant 0 : i32
      %ge3A_106 = vector.broadcast %ge3A_105 : i32 to vector<16xi32>
      %ge3A_107 = arith.cmpi sge, %sub3A_104, %ge3A_106 : vector<16xi32>
      %lt3A_108 = arith.constant 512 : i32
      %lt3A_109 = vector.broadcast %lt3A_108 : i32 to vector<16xi32>
      %lt3A_110 = arith.cmpi slt, %sub3A_104, %lt3A_109 : vector<16xi32>
      %and3A_111 = arith.andi %ge3A_107, %lt3A_110 : vector<16xi1>
      %convert_element_type3A_112 = arith.extui %and3A_111 : vector<16xi1> to vector<16xi32>
      %reduce_sum3A_113 = arith.constant true
      %reduce_sum3A_114 = vector.broadcast %reduce_sum3A_113 : i1 to vector<16xi1>
      %reduce_sum3A_115 = tpu.scan <sum>, %convert_element_type3A_112 masked %reduce_sum3A_114 : vector<16xi32>, vector<16xi1> -> vector<16xi32>
      %reduce_sum3A_116 = vector.extract %reduce_sum3A_115[15] : i32 from vector<16xi32>
      %gt3A_117 = arith.constant 0 : i32
      %gt3A_118 = arith.cmpi sgt, %reduce_sum3A_116, %gt3A_117 : i32
      %convert_element_type3A_119 = arith.extui %gt3A_118 : i1 to i32
      %cond3A_120 = arith.constant 0 : i32
      %cond3A_121 = arith.cmpi ne, %convert_element_type3A_119, %cond3A_120 : i32
      scf.if %cond3A_121 {
        %mul3A_149 = arith.constant 16 : i32
        %mul3A_150 = arith.muli %add3A_98, %mul3A_149 : i32
        %add3A_151 = vector.broadcast %mul3A_150 : i32 to vector<16xi32>
        %add3A_152 = arith.addi %add3A_151, %iota3A : vector<16xi32>
        %mul3A_153 = arith.constant 4096 : i32
        %mul3A_154 = vector.broadcast %mul3A_153 : i32 to vector<16xi32>
        %mul3A_155 = arith.muli %sub3A_104, %mul3A_154 : vector<16xi32>
        %add3A_156 = arith.addi %mul3A_155, %add3A_152 : vector<16xi32>
        %jit3A = arith.constant 2147483647 : i32
        %broadcast_in_dim3A = vector.broadcast %jit3A : i32 to vector<16xi32>
        %select_n3A = arith.select %and3A_111, %add3A_156, %broadcast_in_dim3A : vector<16xi1>, vector<16xi32>
        %masked_sort3A = arith.constant dense<true> : vector<16xi1>
        %masked_sort3A_157 = arith.constant -2147483648 : i32
        %masked_sort3A_158 = vector.broadcast %masked_sort3A_157 : i32 to vector<16xi32>
        %masked_sort3A_159 = arith.xori %select_n3A, %masked_sort3A_158 : vector<16xi32>
        %masked_sort3A_160, %masked_sort3A_161, %masked_sort3A_162 = tpu.sort %masked_sort3A_159, %select_n3A masked %masked_sort3A : (vector<16xi32>, vector<16xi32>, vector<16xi1>) -> (vector<16xi1>, vector<16xi32>, vector<16xi32>)
        %masked_sort3A_163 = arith.xori %masked_sort3A_161, %masked_sort3A_158 : vector<16xi32>
        %swap3A = arith.constant 0 : index
        %swap3A_164 = tpu.vector_load %arg12[%swap3A] {strides = array<i32>} : memref<16xi32, #tpu.memory_space<vmem>>, vector<16xi32>,
        tpu.vector_store %arg12[%swap3A], %masked_sort3A_163 {strides = array<i32>} : memref<16xi32, #tpu.memory_space<vmem>>, vector<16xi32>,
        %gather3A = tpu.vector_load_idx %arg12[%min3A_21] : memref<16xi32, #tpu.memory_space<vmem>>[vector<16xi32>], vector<16xi32>,
        %shift_right_arithmetic3A = arith.constant 12 : i32
        %shift_right_arithmetic3A_165 = vector.broadcast %shift_right_arithmetic3A : i32 to vector<16xi32>
        %shift_right_arithmetic3A_166 = arith.shrsi %masked_sort3A_163, %shift_right_arithmetic3A_165 : vector<16xi32>
        %shift_right_arithmetic3A_167 = arith.constant 12 : i32
        %shift_right_arithmetic3A_168 = vector.broadcast %shift_right_arithmetic3A_167 : i32 to vector<16xi32>
        %shift_right_arithmetic3A_169 = arith.shrsi %gather3A, %shift_right_arithmetic3A_168 : vector<16xi32>
        %ne3A = arith.cmpi ne, %shift_right_arithmetic3A_166, %shift_right_arithmetic3A_169 : vector<16xi32>
        %or3A = arith.ori %ne3A, %eq3A_23 : vector<16xi1>
        %ne3A_170 = arith.constant 2147483647 : i32
        %ne3A_171 = vector.broadcast %ne3A_170 : i32 to vector<16xi32>
        %ne3A_172 = arith.cmpi ne, %masked_sort3A_163, %ne3A_171 : vector<16xi32>
        %and3A_173 = arith.andi %or3A, %ne3A_172 : vector<16xi1>
        %shift_right_arithmetic3A_174 = arith.constant 12 : i32
        %shift_right_arithmetic3A_175 = vector.broadcast %shift_right_arithmetic3A_174 : i32 to vector<16xi32>
        %shift_right_arithmetic3A_176 = arith.shrsi %masked_sort3A_163, %shift_right_arithmetic3A_175 : vector<16xi32>
        %jit3A_177 = arith.constant 0 : i32
        %broadcast_in_dim3A_178 = vector.broadcast %jit3A_177 : i32 to vector<16xi32>
        %select_n3A_179 = arith.select %and3A_173, %shift_right_arithmetic3A_176, %broadcast_in_dim3A_178 : vector<16xi1>, vector<16xi32>
        %and3A_180 = arith.constant 4095 : i32
        %and3A_181 = vector.broadcast %and3A_180 : i32 to vector<16xi32>
        %and3A_182 = arith.andi %masked_sort3A_163, %and3A_181 : vector<16xi32>
        tpu.vector_store_idx %arg11[%select_n3A_179], %and3A_182 masked %and3A_173 : memref<512xi32, #tpu.memory_space<vmem>>[vector<16xi32>], vector<16xi32>, vector<16xi1>
      } else {
      }
      %mul3A_122 = arith.constant 4 : i32
      %mul3A_123 = arith.muli %scan3A_49, %mul3A_122 : i32
      %add3A_124 = arith.constant 3 : i32
      %add3A_125 = arith.addi %mul3A_123, %add3A_124 : i32
      %mul3A_126 = arith.constant 16 : i32
      %mul3A_127 = arith.muli %add3A_125, %mul3A_126 : i32
      %get3A_128 = arith.index_cast %mul3A_127 : i32 to index
      %get3A_129 = tpu.vector_load %arg10[%get3A_128] {strides = array<i32>} : memref<4096xi32, #tpu.memory_space<vmem>>, vector<16xi32>,
      %sub3A_130 = vector.broadcast %mul3A_2 : i32 to vector<16xi32>
      %sub3A_131 = arith.subi %get3A_129, %sub3A_130 : vector<16xi32>
      %ge3A_132 = arith.constant 0 : i32
      %ge3A_133 = vector.broadcast %ge3A_132 : i32 to vector<16xi32>
      %ge3A_134 = arith.cmpi sge, %sub3A_131, %ge3A_133 : vector<16xi32>
      %lt3A_135 = arith.constant 512 : i32
      %lt3A_136 = vector.broadcast %lt3A_135 : i32 to vector<16xi32>
      %lt3A_137 = arith.cmpi slt, %sub3A_131, %lt3A_136 : vector<16xi32>
      %and3A_138 = arith.andi %ge3A_134, %lt3A_137 : vector<16xi1>
      %convert_element_type3A_139 = arith.extui %and3A_138 : vector<16xi1> to vector<16xi32>
      %reduce_sum3A_140 = arith.constant true
      %reduce_sum3A_141 = vector.broadcast %reduce_sum3A_140 : i1 to vector<16xi1>
      %reduce_sum3A_142 = tpu.scan <sum>, %convert_element_type3A_139 masked %reduce_sum3A_141 : vector<16xi32>, vector<16xi1> -> vector<16xi32>
      %reduce_sum3A_143 = vector.extract %reduce_sum3A_142[15] : i32 from vector<16xi32>
      %gt3A_144 = arith.constant 0 : i32
      %gt3A_145 = arith.cmpi sgt, %reduce_sum3A_143, %gt3A_144 : i32
      %convert_element_type3A_146 = arith.extui %gt3A_145 : i1 to i32
      %cond3A_147 = arith.constant 0 : i32
      %cond3A_148 = arith.cmpi ne, %convert_element_type3A_146, %cond3A_147 : i32
      scf.if %cond3A_148 {
        %mul3A_149 = arith.constant 16 : i32
        %mul3A_150 = arith.muli %add3A_125, %mul3A_149 : i32
        %add3A_151 = vector.broadcast %mul3A_150 : i32 to vector<16xi32>
        %add3A_152 = arith.addi %add3A_151, %iota3A : vector<16xi32>
        %mul3A_153 = arith.constant 4096 : i32
        %mul3A_154 = vector.broadcast %mul3A_153 : i32 to vector<16xi32>
        %mul3A_155 = arith.muli %sub3A_131, %mul3A_154 : vector<16xi32>
        %add3A_156 = arith.addi %mul3A_155, %add3A_152 : vector<16xi32>
        %jit3A = arith.constant 2147483647 : i32
        %broadcast_in_dim3A = vector.broadcast %jit3A : i32 to vector<16xi32>
        %select_n3A = arith.select %and3A_138, %add3A_156, %broadcast_in_dim3A : vector<16xi1>, vector<16xi32>
        %masked_sort3A = arith.constant dense<true> : vector<16xi1>
        %masked_sort3A_157 = arith.constant -2147483648 : i32
        %masked_sort3A_158 = vector.broadcast %masked_sort3A_157 : i32 to vector<16xi32>
        %masked_sort3A_159 = arith.xori %select_n3A, %masked_sort3A_158 : vector<16xi32>
        %masked_sort3A_160, %masked_sort3A_161, %masked_sort3A_162 = tpu.sort %masked_sort3A_159, %select_n3A masked %masked_sort3A : (vector<16xi32>, vector<16xi32>, vector<16xi1>) -> (vector<16xi1>, vector<16xi32>, vector<16xi32>)
        %masked_sort3A_163 = arith.xori %masked_sort3A_161, %masked_sort3A_158 : vector<16xi32>
        %swap3A = arith.constant 0 : index
        %swap3A_164 = tpu.vector_load %arg12[%swap3A] {strides = array<i32>} : memref<16xi32, #tpu.memory_space<vmem>>, vector<16xi32>,
        tpu.vector_store %arg12[%swap3A], %masked_sort3A_163 {strides = array<i32>} : memref<16xi32, #tpu.memory_space<vmem>>, vector<16xi32>,
        %gather3A = tpu.vector_load_idx %arg12[%min3A_21] : memref<16xi32, #tpu.memory_space<vmem>>[vector<16xi32>], vector<16xi32>,
        %shift_right_arithmetic3A = arith.constant 12 : i32
        %shift_right_arithmetic3A_165 = vector.broadcast %shift_right_arithmetic3A : i32 to vector<16xi32>
        %shift_right_arithmetic3A_166 = arith.shrsi %masked_sort3A_163, %shift_right_arithmetic3A_165 : vector<16xi32>
        %shift_right_arithmetic3A_167 = arith.constant 12 : i32
        %shift_right_arithmetic3A_168 = vector.broadcast %shift_right_arithmetic3A_167 : i32 to vector<16xi32>
        %shift_right_arithmetic3A_169 = arith.shrsi %gather3A, %shift_right_arithmetic3A_168 : vector<16xi32>
        %ne3A = arith.cmpi ne, %shift_right_arithmetic3A_166, %shift_right_arithmetic3A_169 : vector<16xi32>
        %or3A = arith.ori %ne3A, %eq3A_23 : vector<16xi1>
        %ne3A_170 = arith.constant 2147483647 : i32
        %ne3A_171 = vector.broadcast %ne3A_170 : i32 to vector<16xi32>
        %ne3A_172 = arith.cmpi ne, %masked_sort3A_163, %ne3A_171 : vector<16xi32>
        %and3A_173 = arith.andi %or3A, %ne3A_172 : vector<16xi1>
        %shift_right_arithmetic3A_174 = arith.constant 12 : i32
        %shift_right_arithmetic3A_175 = vector.broadcast %shift_right_arithmetic3A_174 : i32 to vector<16xi32>
        %shift_right_arithmetic3A_176 = arith.shrsi %masked_sort3A_163, %shift_right_arithmetic3A_175 : vector<16xi32>
        %jit3A_177 = arith.constant 0 : i32
        %broadcast_in_dim3A_178 = vector.broadcast %jit3A_177 : i32 to vector<16xi32>
        %select_n3A_179 = arith.select %and3A_173, %shift_right_arithmetic3A_176, %broadcast_in_dim3A_178 : vector<16xi1>, vector<16xi32>
        %and3A_180 = arith.constant 4095 : i32
        %and3A_181 = vector.broadcast %and3A_180 : i32 to vector<16xi32>
        %and3A_182 = arith.andi %masked_sort3A_163, %and3A_181 : vector<16xi32>
        tpu.vector_store_idx %arg11[%select_n3A_179], %and3A_182 masked %and3A_173 : memref<512xi32, #tpu.memory_space<vmem>>[vector<16xi32>], vector<16xi32>, vector<16xi1>
      } else {
      }
    }
    %scan3A_29 = arith.constant 64 : i32
    "tpu.trace_stop"() : () -> ()
    "tpu.trace_start"() <{level = 10 : i32, message = "ph_copy"}> : () -> ()
    %scan3A_30 = arith.constant 0 : i32
    %scan3A_31 = arith.constant 0 : i32
    %scan3A_32 = arith.constant 8 : i32
    %scan3A_33 = arith.addi %scan3A_31, %scan3A_32 : i32
    %scan3A_34 = arith.constant 1 : i32
    scf.for %scan3A_49 = %scan3A_31 to %scan3A_33 step %scan3A_34  : i32 {
      %mul3A_50 = arith.constant 2 : i32
      %mul3A_51 = arith.muli %mul3A_50, %scan3A_49 : i32
      %add3A_52 = arith.constant 1 : i32
      %add3A_53 = arith.addi %mul3A_51, %add3A_52 : i32
      %mul3A_54 = arith.constant 32 : i32
      %mul3A_55 = arith.muli %add3A_53, %mul3A_54 : i32
      %add3A_56 = arith.addi %mul3A_2, %mul3A_55 : i32
      %dma_start3A_57 = arith.constant 0 : i32
      %dma_start3A_58 = tpu.memref_slice %arg3[%add3A_56, %dma_start3A_57] : memref<16384x1024xf32, #tpu.memory_space<hbm>> -> memref<32x1024xf32, #tpu.memory_space<hbm>>
      %dma_start3A_59 = arith.constant 0 : i32
      %dma_start3A_60 = tpu.memref_slice %arg3[%add3A_56, %dma_start3A_59] : memref<16384x1024xf32, #tpu.memory_space<hbm>> -> memref<32x1024xf32, #tpu.memory_space<hbm>>
      tpu.enqueue_dma source(%dma_start3A_60 : memref<32x1024xf32, #tpu.memory_space<hbm>>) target(%arg14 : memref<32x1024xf32, #tpu.memory_space<vmem>>) target_semaphore(%arg24 : memref<!tpu.dma_semaphore, #tpu.memory_space<semaphore_mem>>)
      %dma_wait3A_61 = arith.constant 0 : i32
      %dma_wait3A_62 = arith.constant 0 : i32
      %dma_wait3A_63 = tpu.memref_slice %arg3[%dma_wait3A_61, %dma_wait3A_62] : memref<16384x1024xf32, #tpu.memory_space<hbm>> -> memref<32x1024xf32, #tpu.memory_space<hbm>>
      %dma_wait3A_64 = arith.constant 0 : i32
      %dma_wait3A_65 = arith.constant 0 : i32
      %dma_wait3A_66 = tpu.memref_slice %arg3[%dma_wait3A_64, %dma_wait3A_65] : memref<16384x1024xf32, #tpu.memory_space<hbm>> -> memref<32x1024xf32, #tpu.memory_space<hbm>>
      tpu.wait_dma2 semaphore(%arg22 : memref<!tpu.dma_semaphore, #tpu.memory_space<semaphore_mem>>) src(%dma_wait3A_66 : memref<32x1024xf32, #tpu.memory_space<hbm>>) dst(%arg13 : memref<32x1024xf32, #tpu.memory_space<vmem>>)
      %mul3A_67 = arith.constant 2 : i32
      %mul3A_68 = arith.muli %mul3A_67, %scan3A_49 : i32
      %mul3A_69 = arith.constant 32 : i32
      %mul3A_70 = arith.muli %mul3A_68, %mul3A_69 : i32
      %add3A_71 = arith.constant 0 : i32
      %add3A_72 = arith.addi %mul3A_70, %add3A_71 : i32
      %get3A = arith.index_cast %add3A_72 : i32 to index
      %get3A_73 = tpu.vector_load %arg11[%get3A] {strides = array<i32>} : memref<512xi32, #tpu.memory_space<vmem>>, vector<16xi32>,
      %ge3A = arith.constant 0 : i32
      %ge3A_74 = vector.broadcast %ge3A : i32 to vector<16xi32>
      %ge3A_75 = arith.cmpi sge, %get3A_73, %ge3A_74 : vector<16xi32>
      %convert_element_type3A = arith.extui %ge3A_75 : vector<16xi1> to vector<16xi32>
      %reduce_sum3A = arith.constant true
      %reduce_sum3A_76 = vector.broadcast %reduce_sum3A : i1 to vector<16xi1>
      %reduce_sum3A_77 = tpu.scan <sum>, %convert_element_type3A masked %reduce_sum3A_76 : vector<16xi32>, vector<16xi1> -> vector<16xi32>
      %reduce_sum3A_78 = vector.extract %reduce_sum3A_77[15] : i32 from vector<16xi32>
      %gt3A = arith.constant 0 : i32
      %gt3A_79 = arith.cmpi sgt, %reduce_sum3A_78, %gt3A : i32
      %convert_element_type3A_80 = arith.extui %gt3A_79 : i1 to i32
      %cond3A = arith.constant 0 : i32
      %cond3A_81 = arith.cmpi ne, %convert_element_type3A_80, %cond3A : i32
      scf.if %cond3A_81 {
        %mul3A_185 = arith.constant 32 : i32
        %mul3A_186 = arith.muli %mul3A_68, %mul3A_185 : i32
        %add3A_187 = arith.constant 0 : i32
        %add3A_188 = arith.addi %mul3A_186, %add3A_187 : i32
        %add3A_189 = vector.broadcast %add3A_188 : i32 to vector<16xi32>
        %add3A_190 = arith.addi %add3A_189, %iota3A : vector<16xi32>
        %and3A = arith.constant 4095 : i32
        %and3A_191 = vector.broadcast %and3A : i32 to vector<16xi32>
        %and3A_192 = arith.andi %add3A_190, %and3A_191 : vector<16xi32>
        %select_n3A = arith.select %ge3A_75, %get3A_73, %and3A_192 : vector<16xi1>, vector<16xi32>
        %dma_start3A_193 = arith.constant 0 : i32
        %dma_start3A_194 = arith.constant 0 : i32
        %dma_start3A_195 = tpu.memref_slice %arg7[%dma_start3A_193, %dma_start3A_194] : memref<4096x1024xf32, #tpu.memory_space<hbm>> -> memref<4096x1024xf32, #tpu.memory_space<hbm>>
        tpu.enqueue_indirect_dma source(%dma_start3A_195 : memref<4096x1024xf32, #tpu.memory_space<hbm>>) target(%arg15 : memref<16x1024xf32, #tpu.memory_space<vmem>>) offsets(%select_n3A : vector<16xi32>) semaphore(%arg26 : memref<!tpu.dma_semaphore, #tpu.memory_space<semaphore_mem>>)
        %dma_wait3A_196 = arith.constant 0 : i32
        %dma_wait3A_197 = arith.constant 0 : i32
        %dma_wait3A_198 = tpu.memref_slice %arg7[%dma_wait3A_196, %dma_wait3A_197] : memref<4096x1024xf32, #tpu.memory_space<hbm>> -> memref<4096x1024xf32, #tpu.memory_space<hbm>>
        tpu.wait_indirect_dma semaphore(%arg26 : memref<!tpu.dma_semaphore, #tpu.memory_space<semaphore_mem>>) src(%dma_wait3A_198 : memref<4096x1024xf32, #tpu.memory_space<hbm>>) dst(%arg15 : memref<16x1024xf32, #tpu.memory_space<vmem>>)
        %scan3A_199 = arith.constant 0 : i32
        %scan3A_200 = arith.constant 0 : i32
        %scan3A_201 = arith.constant 16 : i32
        %scan3A_202 = arith.addi %scan3A_200, %scan3A_201 : i32
        %scan3A_203 = arith.constant 1 : i32
        scf.for %scan3A_205 = %scan3A_200 to %scan3A_202 step %scan3A_203  : i32 {
          %eq3A_206 = vector.broadcast %scan3A_205 : i32 to vector<16xi32>
          %eq3A_207 = arith.cmpi eq, %iota3A, %eq3A_206 : vector<16xi32>
          %convert_element_type3A_208 = arith.extui %ge3A_75 : vector<16xi1> to vector<16xi32>
          %jit3A = arith.constant 0 : i32
          %broadcast_in_dim3A = vector.broadcast %jit3A : i32 to vector<16xi32>
          %select_n3A_209 = arith.select %eq3A_207, %convert_element_type3A_208, %broadcast_in_dim3A : vector<16xi1>, vector<16xi32>
          %reduce_sum3A_210 = arith.constant true
          %reduce_sum3A_211 = vector.broadcast %reduce_sum3A_210 : i1 to vector<16xi1>
          %reduce_sum3A_212 = tpu.scan <sum>, %select_n3A_209 masked %reduce_sum3A_211 : vector<16xi32>, vector<16xi1> -> vector<16xi32>
          %reduce_sum3A_213 = vector.extract %reduce_sum3A_212[15] : i32 from vector<16xi32>
          %gt3A_214 = arith.constant 0 : i32
          %gt3A_215 = arith.cmpi sgt, %reduce_sum3A_213, %gt3A_214 : i32
          %convert_element_type3A_216 = arith.extui %gt3A_215 : i1 to i32
          %cond3A_217 = arith.constant 0 : i32
          %cond3A_218 = arith.cmpi ne, %convert_element_type3A_216, %cond3A_217 : i32
          scf.if %cond3A_218 {
            %scan3A_219 = arith.constant 0 : i32
            %scan3A_220 = arith.constant 0 : i32
            %scan3A_221 = arith.constant 64 : i32
            %scan3A_222 = arith.addi %scan3A_220, %scan3A_221 : i32
            %scan3A_223 = arith.constant 1 : i32
            scf.for %scan3A_225 = %scan3A_220 to %scan3A_222 step %scan3A_223  : i32 {
              %mul3A_226 = arith.constant 16 : i32
              %mul3A_227 = arith.muli %scan3A_225, %mul3A_226 : i32
              %get3A_228 = arith.index_cast %scan3A_205 : i32 to index
              %get3A_229 = arith.index_cast %mul3A_227 : i32 to index
              %get3A_230 = tpu.vector_load %arg15[%get3A_228, %get3A_229] {strides = array<i32>} : memref<16x1024xf32, #tpu.memory_space<vmem>>, vector<16xf32>,
              %add3A_231 = arith.constant 0 : i32
              %add3A_232 = arith.addi %add3A_231, %scan3A_205 : i32
              %mul3A_233 = arith.constant 16 : i32
              %mul3A_234 = arith.muli %scan3A_225, %mul3A_233 : i32
              %swap3A = arith.index_cast %add3A_232 : i32 to index
              %swap3A_235 = arith.index_cast %mul3A_234 : i32 to index
              %swap3A_236 = tpu.vector_load %arg13[%swap3A, %swap3A_235] {strides = array<i32>} : memref<32x1024xf32, #tpu.memory_space<vmem>>, vector<16xf32>,
              tpu.vector_store %arg13[%swap3A, %swap3A_235], %get3A_230 {strides = array<i32>} : memref<32x1024xf32, #tpu.memory_space<vmem>>, vector<16xf32>,
            }
            %scan3A_224 = arith.constant 64 : i32
          } else {
          }
        }
        %scan3A_204 = arith.constant 16 : i32
      } else {
      }
      %mul3A_82 = arith.constant 32 : i32
      %mul3A_83 = arith.muli %mul3A_68, %mul3A_82 : i32
      %add3A_84 = arith.constant 16 : i32
      %add3A_85 = arith.addi %mul3A_83, %add3A_84 : i32
      %get3A_86 = arith.index_cast %add3A_85 : i32 to index
      %get3A_87 = tpu.vector_load %arg11[%get3A_86] {strides = array<i32>} : memref<512xi32, #tpu.memory_space<vmem>>, vector<16xi32>,
      %ge3A_88 = arith.constant 0 : i32
      %ge3A_89 = vector.broadcast %ge3A_88 : i32 to vector<16xi32>
      %ge3A_90 = arith.cmpi sge, %get3A_87, %ge3A_89 : vector<16xi32>
      %convert_element_type3A_91 = arith.extui %ge3A_90 : vector<16xi1> to vector<16xi32>
      %reduce_sum3A_92 = arith.constant true
      %reduce_sum3A_93 = vector.broadcast %reduce_sum3A_92 : i1 to vector<16xi1>
      %reduce_sum3A_94 = tpu.scan <sum>, %convert_element_type3A_91 masked %reduce_sum3A_93 : vector<16xi32>, vector<16xi1> -> vector<16xi32>
      %reduce_sum3A_95 = vector.extract %reduce_sum3A_94[15] : i32 from vector<16xi32>
      %gt3A_96 = arith.constant 0 : i32
      %gt3A_97 = arith.cmpi sgt, %reduce_sum3A_95, %gt3A_96 : i32
      %convert_element_type3A_98 = arith.extui %gt3A_97 : i1 to i32
      %cond3A_99 = arith.constant 0 : i32
      %cond3A_100 = arith.cmpi ne, %convert_element_type3A_98, %cond3A_99 : i32
      scf.if %cond3A_100 {
        %mul3A_185 = arith.constant 32 : i32
        %mul3A_186 = arith.muli %mul3A_68, %mul3A_185 : i32
        %add3A_187 = arith.constant 16 : i32
        %add3A_188 = arith.addi %mul3A_186, %add3A_187 : i32
        %add3A_189 = vector.broadcast %add3A_188 : i32 to vector<16xi32>
        %add3A_190 = arith.addi %add3A_189, %iota3A : vector<16xi32>
        %and3A = arith.constant 4095 : i32
        %and3A_191 = vector.broadcast %and3A : i32 to vector<16xi32>
        %and3A_192 = arith.andi %add3A_190, %and3A_191 : vector<16xi32>
        %select_n3A = arith.select %ge3A_90, %get3A_87, %and3A_192 : vector<16xi1>, vector<16xi32>
        %dma_start3A_193 = arith.constant 0 : i32
        %dma_start3A_194 = arith.constant 0 : i32
        %dma_start3A_195 = tpu.memref_slice %arg7[%dma_start3A_193, %dma_start3A_194] : memref<4096x1024xf32, #tpu.memory_space<hbm>> -> memref<4096x1024xf32, #tpu.memory_space<hbm>>
        tpu.enqueue_indirect_dma source(%dma_start3A_195 : memref<4096x1024xf32, #tpu.memory_space<hbm>>) target(%arg15 : memref<16x1024xf32, #tpu.memory_space<vmem>>) offsets(%select_n3A : vector<16xi32>) semaphore(%arg26 : memref<!tpu.dma_semaphore, #tpu.memory_space<semaphore_mem>>)
        %dma_wait3A_196 = arith.constant 0 : i32
        %dma_wait3A_197 = arith.constant 0 : i32
        %dma_wait3A_198 = tpu.memref_slice %arg7[%dma_wait3A_196, %dma_wait3A_197] : memref<4096x1024xf32, #tpu.memory_space<hbm>> -> memref<4096x1024xf32, #tpu.memory_space<hbm>>
        tpu.wait_indirect_dma semaphore(%arg26 : memref<!tpu.dma_semaphore, #tpu.memory_space<semaphore_mem>>) src(%dma_wait3A_198 : memref<4096x1024xf32, #tpu.memory_space<hbm>>) dst(%arg15 : memref<16x1024xf32, #tpu.memory_space<vmem>>)
        %scan3A_199 = arith.constant 0 : i32
        %scan3A_200 = arith.constant 0 : i32
        %scan3A_201 = arith.constant 16 : i32
        %scan3A_202 = arith.addi %scan3A_200, %scan3A_201 : i32
        %scan3A_203 = arith.constant 1 : i32
        scf.for %scan3A_205 = %scan3A_200 to %scan3A_202 step %scan3A_203  : i32 {
          %eq3A_206 = vector.broadcast %scan3A_205 : i32 to vector<16xi32>
          %eq3A_207 = arith.cmpi eq, %iota3A, %eq3A_206 : vector<16xi32>
          %convert_element_type3A_208 = arith.extui %ge3A_90 : vector<16xi1> to vector<16xi32>
          %jit3A = arith.constant 0 : i32
          %broadcast_in_dim3A = vector.broadcast %jit3A : i32 to vector<16xi32>
          %select_n3A_209 = arith.select %eq3A_207, %convert_element_type3A_208, %broadcast_in_dim3A : vector<16xi1>, vector<16xi32>
          %reduce_sum3A_210 = arith.constant true
          %reduce_sum3A_211 = vector.broadcast %reduce_sum3A_210 : i1 to vector<16xi1>
          %reduce_sum3A_212 = tpu.scan <sum>, %select_n3A_209 masked %reduce_sum3A_211 : vector<16xi32>, vector<16xi1> -> vector<16xi32>
          %reduce_sum3A_213 = vector.extract %reduce_sum3A_212[15] : i32 from vector<16xi32>
          %gt3A_214 = arith.constant 0 : i32
          %gt3A_215 = arith.cmpi sgt, %reduce_sum3A_213, %gt3A_214 : i32
          %convert_element_type3A_216 = arith.extui %gt3A_215 : i1 to i32
          %cond3A_217 = arith.constant 0 : i32
          %cond3A_218 = arith.cmpi ne, %convert_element_type3A_216, %cond3A_217 : i32
          scf.if %cond3A_218 {
            %scan3A_219 = arith.constant 0 : i32
            %scan3A_220 = arith.constant 0 : i32
            %scan3A_221 = arith.constant 64 : i32
            %scan3A_222 = arith.addi %scan3A_220, %scan3A_221 : i32
            %scan3A_223 = arith.constant 1 : i32
            scf.for %scan3A_225 = %scan3A_220 to %scan3A_222 step %scan3A_223  : i32 {
              %mul3A_226 = arith.constant 16 : i32
              %mul3A_227 = arith.muli %scan3A_225, %mul3A_226 : i32
              %get3A_228 = arith.index_cast %scan3A_205 : i32 to index
              %get3A_229 = arith.index_cast %mul3A_227 : i32 to index
              %get3A_230 = tpu.vector_load %arg15[%get3A_228, %get3A_229] {strides = array<i32>} : memref<16x1024xf32, #tpu.memory_space<vmem>>, vector<16xf32>,
              %add3A_231 = arith.constant 16 : i32
              %add3A_232 = arith.addi %add3A_231, %scan3A_205 : i32
              %mul3A_233 = arith.constant 16 : i32
              %mul3A_234 = arith.muli %scan3A_225, %mul3A_233 : i32
              %swap3A = arith.index_cast %add3A_232 : i32 to index
              %swap3A_235 = arith.index_cast %mul3A_234 : i32 to index
              %swap3A_236 = tpu.vector_load %arg13[%swap3A, %swap3A_235] {strides = array<i32>} : memref<32x1024xf32, #tpu.memory_space<vmem>>, vector<16xf32>,
              tpu.vector_store %arg13[%swap3A, %swap3A_235], %get3A_230 {strides = array<i32>} : memref<32x1024xf32, #tpu.memory_space<vmem>>, vector<16xf32>,
            }
            %scan3A_224 = arith.constant 64 : i32
          } else {
          }
        }
        %scan3A_204 = arith.constant 16 : i32
      } else {
      }
      %mul3A_101 = arith.constant 2 : i32
      %mul3A_102 = arith.muli %mul3A_101, %scan3A_49 : i32
      %mul3A_103 = arith.constant 32 : i32
      %mul3A_104 = arith.muli %mul3A_102, %mul3A_103 : i32
      %add3A_105 = arith.addi %mul3A_2, %mul3A_104 : i32
      %dma_start3A_106 = arith.constant 0 : i32
      %dma_start3A_107 = tpu.memref_slice %arg8[%add3A_105, %dma_start3A_106] : memref<16384x1024xf32, #tpu.memory_space<hbm>> -> memref<32x1024xf32, #tpu.memory_space<hbm>>
      %dma_start3A_108 = arith.constant 0 : i32
      %dma_start3A_109 = tpu.memref_slice %arg8[%add3A_105, %dma_start3A_108] : memref<16384x1024xf32, #tpu.memory_space<hbm>> -> memref<32x1024xf32, #tpu.memory_space<hbm>>
      tpu.enqueue_dma source(%arg13 : memref<32x1024xf32, #tpu.memory_space<vmem>>) target(%dma_start3A_109 : memref<32x1024xf32, #tpu.memory_space<hbm>>) target_semaphore(%arg23 : memref<!tpu.dma_semaphore, #tpu.memory_space<semaphore_mem>>)
      %dma_wait3A_110 = arith.constant 0 : i32
      %dma_wait3A_111 = arith.constant 0 : i32
      %dma_wait3A_112 = tpu.memref_slice %arg3[%dma_wait3A_110, %dma_wait3A_111] : memref<16384x1024xf32, #tpu.memory_space<hbm>> -> memref<32x1024xf32, #tpu.memory_space<hbm>>
      %dma_wait3A_113 = arith.constant 0 : i32
      %dma_wait3A_114 = arith.constant 0 : i32
      %dma_wait3A_115 = tpu.memref_slice %arg3[%dma_wait3A_113, %dma_wait3A_114] : memref<16384x1024xf32, #tpu.memory_space<hbm>> -> memref<32x1024xf32, #tpu.memory_space<hbm>>
      tpu.wait_dma2 semaphore(%arg24 : memref<!tpu.dma_semaphore, #tpu.memory_space<semaphore_mem>>) src(%dma_wait3A_115 : memref<32x1024xf32, #tpu.memory_space<hbm>>) dst(%arg14 : memref<32x1024xf32, #tpu.memory_space<vmem>>)
      %mul3A_116 = arith.constant 2 : i32
      %mul3A_117 = arith.muli %mul3A_116, %scan3A_49 : i32
      %add3A_118 = arith.constant 1 : i32
      %add3A_119 = arith.addi %mul3A_117, %add3A_118 : i32
      %mul3A_120 = arith.constant 32 : i32
      %mul3A_121 = arith.muli %add3A_119, %mul3A_120 : i32
      %add3A_122 = arith.constant 0 : i32
      %add3A_123 = arith.addi %mul3A_121, %add3A_122 : i32
      %get3A_124 = arith.index_cast %add3A_123 : i32 to index
      %get3A_125 = tpu.vector_load %arg11[%get3A_124] {strides = array<i32>} : memref<512xi32, #tpu.memory_space<vmem>>, vector<16xi32>,
      %ge3A_126 = arith.constant 0 : i32
      %ge3A_127 = vector.broadcast %ge3A_126 : i32 to vector<16xi32>
      %ge3A_128 = arith.cmpi sge, %get3A_125, %ge3A_127 : vector<16xi32>
      %convert_element_type3A_129 = arith.extui %ge3A_128 : vector<16xi1> to vector<16xi32>
      %reduce_sum3A_130 = arith.constant true
      %reduce_sum3A_131 = vector.broadcast %reduce_sum3A_130 : i1 to vector<16xi1>
      %reduce_sum3A_132 = tpu.scan <sum>, %convert_element_type3A_129 masked %reduce_sum3A_131 : vector<16xi32>, vector<16xi1> -> vector<16xi32>
      %reduce_sum3A_133 = vector.extract %reduce_sum3A_132[15] : i32 from vector<16xi32>
      %gt3A_134 = arith.constant 0 : i32
      %gt3A_135 = arith.cmpi sgt, %reduce_sum3A_133, %gt3A_134 : i32
      %convert_element_type3A_136 = arith.extui %gt3A_135 : i1 to i32
      %cond3A_137 = arith.constant 0 : i32
      %cond3A_138 = arith.cmpi ne, %convert_element_type3A_136, %cond3A_137 : i32
      scf.if %cond3A_138 {
        %mul3A_185 = arith.constant 32 : i32
        %mul3A_186 = arith.muli %add3A_119, %mul3A_185 : i32
        %add3A_187 = arith.constant 0 : i32
        %add3A_188 = arith.addi %mul3A_186, %add3A_187 : i32
        %add3A_189 = vector.broadcast %add3A_188 : i32 to vector<16xi32>
        %add3A_190 = arith.addi %add3A_189, %iota3A : vector<16xi32>
        %and3A = arith.constant 4095 : i32
        %and3A_191 = vector.broadcast %and3A : i32 to vector<16xi32>
        %and3A_192 = arith.andi %add3A_190, %and3A_191 : vector<16xi32>
        %select_n3A = arith.select %ge3A_128, %get3A_125, %and3A_192 : vector<16xi1>, vector<16xi32>
        %dma_start3A_193 = arith.constant 0 : i32
        %dma_start3A_194 = arith.constant 0 : i32
        %dma_start3A_195 = tpu.memref_slice %arg7[%dma_start3A_193, %dma_start3A_194] : memref<4096x1024xf32, #tpu.memory_space<hbm>> -> memref<4096x1024xf32, #tpu.memory_space<hbm>>
        tpu.enqueue_indirect_dma source(%dma_start3A_195 : memref<4096x1024xf32, #tpu.memory_space<hbm>>) target(%arg15 : memref<16x1024xf32, #tpu.memory_space<vmem>>) offsets(%select_n3A : vector<16xi32>) semaphore(%arg26 : memref<!tpu.dma_semaphore, #tpu.memory_space<semaphore_mem>>)
        %dma_wait3A_196 = arith.constant 0 : i32
        %dma_wait3A_197 = arith.constant 0 : i32
        %dma_wait3A_198 = tpu.memref_slice %arg7[%dma_wait3A_196, %dma_wait3A_197] : memref<4096x1024xf32, #tpu.memory_space<hbm>> -> memref<4096x1024xf32, #tpu.memory_space<hbm>>
        tpu.wait_indirect_dma semaphore(%arg26 : memref<!tpu.dma_semaphore, #tpu.memory_space<semaphore_mem>>) src(%dma_wait3A_198 : memref<4096x1024xf32, #tpu.memory_space<hbm>>) dst(%arg15 : memref<16x1024xf32, #tpu.memory_space<vmem>>)
        %scan3A_199 = arith.constant 0 : i32
        %scan3A_200 = arith.constant 0 : i32
        %scan3A_201 = arith.constant 16 : i32
        %scan3A_202 = arith.addi %scan3A_200, %scan3A_201 : i32
        %scan3A_203 = arith.constant 1 : i32
        scf.for %scan3A_205 = %scan3A_200 to %scan3A_202 step %scan3A_203  : i32 {
          %eq3A_206 = vector.broadcast %scan3A_205 : i32 to vector<16xi32>
          %eq3A_207 = arith.cmpi eq, %iota3A, %eq3A_206 : vector<16xi32>
          %convert_element_type3A_208 = arith.extui %ge3A_128 : vector<16xi1> to vector<16xi32>
          %jit3A = arith.constant 0 : i32
          %broadcast_in_dim3A = vector.broadcast %jit3A : i32 to vector<16xi32>
          %select_n3A_209 = arith.select %eq3A_207, %convert_element_type3A_208, %broadcast_in_dim3A : vector<16xi1>, vector<16xi32>
          %reduce_sum3A_210 = arith.constant true
          %reduce_sum3A_211 = vector.broadcast %reduce_sum3A_210 : i1 to vector<16xi1>
          %reduce_sum3A_212 = tpu.scan <sum>, %select_n3A_209 masked %reduce_sum3A_211 : vector<16xi32>, vector<16xi1> -> vector<16xi32>
          %reduce_sum3A_213 = vector.extract %reduce_sum3A_212[15] : i32 from vector<16xi32>
          %gt3A_214 = arith.constant 0 : i32
          %gt3A_215 = arith.cmpi sgt, %reduce_sum3A_213, %gt3A_214 : i32
          %convert_element_type3A_216 = arith.extui %gt3A_215 : i1 to i32
          %cond3A_217 = arith.constant 0 : i32
          %cond3A_218 = arith.cmpi ne, %convert_element_type3A_216, %cond3A_217 : i32
          scf.if %cond3A_218 {
            %scan3A_219 = arith.constant 0 : i32
            %scan3A_220 = arith.constant 0 : i32
            %scan3A_221 = arith.constant 64 : i32
            %scan3A_222 = arith.addi %scan3A_220, %scan3A_221 : i32
            %scan3A_223 = arith.constant 1 : i32
            scf.for %scan3A_225 = %scan3A_220 to %scan3A_222 step %scan3A_223  : i32 {
              %mul3A_226 = arith.constant 16 : i32
              %mul3A_227 = arith.muli %scan3A_225, %mul3A_226 : i32
              %get3A_228 = arith.index_cast %scan3A_205 : i32 to index
              %get3A_229 = arith.index_cast %mul3A_227 : i32 to index
              %get3A_230 = tpu.vector_load %arg15[%get3A_228, %get3A_229] {strides = array<i32>} : memref<16x1024xf32, #tpu.memory_space<vmem>>, vector<16xf32>,
              %add3A_231 = arith.constant 0 : i32
              %add3A_232 = arith.addi %add3A_231, %scan3A_205 : i32
              %mul3A_233 = arith.constant 16 : i32
              %mul3A_234 = arith.muli %scan3A_225, %mul3A_233 : i32
              %swap3A = arith.index_cast %add3A_232 : i32 to index
              %swap3A_235 = arith.index_cast %mul3A_234 : i32 to index
              %swap3A_236 = tpu.vector_load %arg14[%swap3A, %swap3A_235] {strides = array<i32>} : memref<32x1024xf32, #tpu.memory_space<vmem>>, vector<16xf32>,
              tpu.vector_store %arg14[%swap3A, %swap3A_235], %get3A_230 {strides = array<i32>} : memref<32x1024xf32, #tpu.memory_space<vmem>>, vector<16xf32>,
            }
            %scan3A_224 = arith.constant 64 : i32
          } else {
          }
        }
        %scan3A_204 = arith.constant 16 : i32
      } else {
      }
      %mul3A_139 = arith.constant 32 : i32
      %mul3A_140 = arith.muli %add3A_119, %mul3A_139 : i32
      %add3A_141 = arith.constant 16 : i32
      %add3A_142 = arith.addi %mul3A_140, %add3A_141 : i32
      %get3A_143 = arith.index_cast %add3A_142 : i32 to index
      %get3A_144 = tpu.vector_load %arg11[%get3A_143] {strides = array<i32>} : memref<512xi32, #tpu.memory_space<vmem>>, vector<16xi32>,
      %ge3A_145 = arith.constant 0 : i32
      %ge3A_146 = vector.broadcast %ge3A_145 : i32 to vector<16xi32>
      %ge3A_147 = arith.cmpi sge, %get3A_144, %ge3A_146 : vector<16xi32>
      %convert_element_type3A_148 = arith.extui %ge3A_147 : vector<16xi1> to vector<16xi32>
      %reduce_sum3A_149 = arith.constant true
      %reduce_sum3A_150 = vector.broadcast %reduce_sum3A_149 : i1 to vector<16xi1>
      %reduce_sum3A_151 = tpu.scan <sum>, %convert_element_type3A_148 masked %reduce_sum3A_150 : vector<16xi32>, vector<16xi1> -> vector<16xi32>
      %reduce_sum3A_152 = vector.extract %reduce_sum3A_151[15] : i32 from vector<16xi32>
      %gt3A_153 = arith.constant 0 : i32
      %gt3A_154 = arith.cmpi sgt, %reduce_sum3A_152, %gt3A_153 : i32
      %convert_element_type3A_155 = arith.extui %gt3A_154 : i1 to i32
      %cond3A_156 = arith.constant 0 : i32
      %cond3A_157 = arith.cmpi ne, %convert_element_type3A_155, %cond3A_156 : i32
      scf.if %cond3A_157 {
        %mul3A_185 = arith.constant 32 : i32
        %mul3A_186 = arith.muli %add3A_119, %mul3A_185 : i32
        %add3A_187 = arith.constant 16 : i32
        %add3A_188 = arith.addi %mul3A_186, %add3A_187 : i32
        %add3A_189 = vector.broadcast %add3A_188 : i32 to vector<16xi32>
        %add3A_190 = arith.addi %add3A_189, %iota3A : vector<16xi32>
        %and3A = arith.constant 4095 : i32
        %and3A_191 = vector.broadcast %and3A : i32 to vector<16xi32>
        %and3A_192 = arith.andi %add3A_190, %and3A_191 : vector<16xi32>
        %select_n3A = arith.select %ge3A_147, %get3A_144, %and3A_192 : vector<16xi1>, vector<16xi32>
        %dma_start3A_193 = arith.constant 0 : i32
        %dma_start3A_194 = arith.constant 0 : i32
        %dma_start3A_195 = tpu.memref_slice %arg7[%dma_start3A_193, %dma_start3A_194] : memref<4096x1024xf32, #tpu.memory_space<hbm>> -> memref<4096x1024xf32, #tpu.memory_space<hbm>>
        tpu.enqueue_indirect_dma source(%dma_start3A_195 : memref<4096x1024xf32, #tpu.memory_space<hbm>>) target(%arg15 : memref<16x1024xf32, #tpu.memory_space<vmem>>) offsets(%select_n3A : vector<16xi32>) semaphore(%arg26 : memref<!tpu.dma_semaphore, #tpu.memory_space<semaphore_mem>>)
        %dma_wait3A_196 = arith.constant 0 : i32
        %dma_wait3A_197 = arith.constant 0 : i32
        %dma_wait3A_198 = tpu.memref_slice %arg7[%dma_wait3A_196, %dma_wait3A_197] : memref<4096x1024xf32, #tpu.memory_space<hbm>> -> memref<4096x1024xf32, #tpu.memory_space<hbm>>
        tpu.wait_indirect_dma semaphore(%arg26 : memref<!tpu.dma_semaphore, #tpu.memory_space<semaphore_mem>>) src(%dma_wait3A_198 : memref<4096x1024xf32, #tpu.memory_space<hbm>>) dst(%arg15 : memref<16x1024xf32, #tpu.memory_space<vmem>>)
        %scan3A_199 = arith.constant 0 : i32
        %scan3A_200 = arith.constant 0 : i32
        %scan3A_201 = arith.constant 16 : i32
        %scan3A_202 = arith.addi %scan3A_200, %scan3A_201 : i32
        %scan3A_203 = arith.constant 1 : i32
        scf.for %scan3A_205 = %scan3A_200 to %scan3A_202 step %scan3A_203  : i32 {
          %eq3A_206 = vector.broadcast %scan3A_205 : i32 to vector<16xi32>
          %eq3A_207 = arith.cmpi eq, %iota3A, %eq3A_206 : vector<16xi32>
          %convert_element_type3A_208 = arith.extui %ge3A_147 : vector<16xi1> to vector<16xi32>
          %jit3A = arith.constant 0 : i32
          %broadcast_in_dim3A = vector.broadcast %jit3A : i32 to vector<16xi32>
          %select_n3A_209 = arith.select %eq3A_207, %convert_element_type3A_208, %broadcast_in_dim3A : vector<16xi1>, vector<16xi32>
          %reduce_sum3A_210 = arith.constant true
          %reduce_sum3A_211 = vector.broadcast %reduce_sum3A_210 : i1 to vector<16xi1>
          %reduce_sum3A_212 = tpu.scan <sum>, %select_n3A_209 masked %reduce_sum3A_211 : vector<16xi32>, vector<16xi1> -> vector<16xi32>
          %reduce_sum3A_213 = vector.extract %reduce_sum3A_212[15] : i32 from vector<16xi32>
          %gt3A_214 = arith.constant 0 : i32
          %gt3A_215 = arith.cmpi sgt, %reduce_sum3A_213, %gt3A_214 : i32
          %convert_element_type3A_216 = arith.extui %gt3A_215 : i1 to i32
          %cond3A_217 = arith.constant 0 : i32
          %cond3A_218 = arith.cmpi ne, %convert_element_type3A_216, %cond3A_217 : i32
          scf.if %cond3A_218 {
            %scan3A_219 = arith.constant 0 : i32
            %scan3A_220 = arith.constant 0 : i32
            %scan3A_221 = arith.constant 64 : i32
            %scan3A_222 = arith.addi %scan3A_220, %scan3A_221 : i32
            %scan3A_223 = arith.constant 1 : i32
            scf.for %scan3A_225 = %scan3A_220 to %scan3A_222 step %scan3A_223  : i32 {
              %mul3A_226 = arith.constant 16 : i32
              %mul3A_227 = arith.muli %scan3A_225, %mul3A_226 : i32
              %get3A_228 = arith.index_cast %scan3A_205 : i32 to index
              %get3A_229 = arith.index_cast %mul3A_227 : i32 to index
              %get3A_230 = tpu.vector_load %arg15[%get3A_228, %get3A_229] {strides = array<i32>} : memref<16x1024xf32, #tpu.memory_space<vmem>>, vector<16xf32>,
              %add3A_231 = arith.constant 16 : i32
              %add3A_232 = arith.addi %add3A_231, %scan3A_205 : i32
              %mul3A_233 = arith.constant 16 : i32
              %mul3A_234 = arith.muli %scan3A_225, %mul3A_233 : i32
              %swap3A = arith.index_cast %add3A_232 : i32 to index
              %swap3A_235 = arith.index_cast %mul3A_234 : i32 to index
              %swap3A_236 = tpu.vector_load %arg14[%swap3A, %swap3A_235] {strides = array<i32>} : memref<32x1024xf32, #tpu.memory_space<vmem>>, vector<16xf32>,
              tpu.vector_store %arg14[%swap3A, %swap3A_235], %get3A_230 {strides = array<i32>} : memref<32x1024xf32, #tpu.memory_space<vmem>>, vector<16xf32>,
            }
            %scan3A_224 = arith.constant 64 : i32
          } else {
          }
        }
        %scan3A_204 = arith.constant 16 : i32
      } else {
      }
      %mul3A_158 = arith.constant 2 : i32
      %mul3A_159 = arith.muli %mul3A_158, %scan3A_49 : i32
      %add3A_160 = arith.constant 1 : i32
      %add3A_161 = arith.addi %mul3A_159, %add3A_160 : i32
      %mul3A_162 = arith.constant 32 : i32
      %mul3A_163 = arith.muli %add3A_161, %mul3A_162 : i32
      %add3A_164 = arith.addi %mul3A_2, %mul3A_163 : i32
      %dma_start3A_165 = arith.constant 0 : i32
      %dma_start3A_166 = tpu.memref_slice %arg8[%add3A_164, %dma_start3A_165] : memref<16384x1024xf32, #tpu.memory_space<hbm>> -> memref<32x1024xf32, #tpu.memory_space<hbm>>
      %dma_start3A_167 = arith.constant 0 : i32
      %dma_start3A_168 = tpu.memref_slice %arg8[%add3A_164, %dma_start3A_167] : memref<16384x1024xf32, #tpu.memory_space<hbm>> -> memref<32x1024xf32, #tpu.memory_space<hbm>>
      tpu.enqueue_dma source(%arg14 : memref<32x1024xf32, #tpu.memory_space<vmem>>) target(%dma_start3A_168 : memref<32x1024xf32, #tpu.memory_space<hbm>>) target_semaphore(%arg25 : memref<!tpu.dma_semaphore, #tpu.memory_space<semaphore_mem>>)
      %dma_wait3A_169 = arith.constant 0 : i32
      %dma_wait3A_170 = arith.constant 0 : i32
      %dma_wait3A_171 = tpu.memref_slice %arg8[%dma_wait3A_169, %dma_wait3A_170] : memref<16384x1024xf32, #tpu.memory_space<hbm>> -> memref<32x1024xf32, #tpu.memory_space<hbm>>
      %dma_wait3A_172 = arith.constant 0 : i32
      %dma_wait3A_173 = arith.constant 0 : i32
      %dma_wait3A_174 = tpu.memref_slice %arg8[%dma_wait3A_172, %dma_wait3A_173] : memref<16384x1024xf32, #tpu.memory_space<hbm>> -> memref<32x1024xf32, #tpu.memory_space<hbm>>
      tpu.wait_dma2 semaphore(%arg23 : memref<!tpu.dma_semaphore, #tpu.memory_space<semaphore_mem>>) src(%arg13 : memref<32x1024xf32, #tpu.memory_space<vmem>>) dst(%dma_wait3A_174 : memref<32x1024xf32, #tpu.memory_space<hbm>>)
      %lt3A = arith.constant 7 : i32
      %lt3A_175 = arith.cmpi slt, %scan3A_49, %lt3A : i32
      %convert_element_type3A_176 = arith.extui %lt3A_175 : i1 to i32
      %cond3A_177 = arith.constant 0 : i32
      %cond3A_178 = arith.cmpi ne, %convert_element_type3A_176, %cond3A_177 : i32
      scf.if %cond3A_178 {
        %mul3A_185 = arith.constant 2 : i32
        %mul3A_186 = arith.muli %mul3A_185, %scan3A_49 : i32
        %add3A_187 = arith.constant 2 : i32
        %add3A_188 = arith.addi %mul3A_186, %add3A_187 : i32
        %mul3A_189 = arith.constant 32 : i32
        %mul3A_190 = arith.muli %add3A_188, %mul3A_189 : i32
        %add3A_191 = arith.addi %mul3A_2, %mul3A_190 : i32
        %dma_start3A_192 = arith.constant 0 : i32
        %dma_start3A_193 = tpu.memref_slice %arg3[%add3A_191, %dma_start3A_192] : memref<16384x1024xf32, #tpu.memory_space<hbm>> -> memref<32x1024xf32, #tpu.memory_space<hbm>>
        %dma_start3A_194 = arith.constant 0 : i32
        %dma_start3A_195 = tpu.memref_slice %arg3[%add3A_191, %dma_start3A_194] : memref<16384x1024xf32, #tpu.memory_space<hbm>> -> memref<32x1024xf32, #tpu.memory_space<hbm>>
        tpu.enqueue_dma source(%dma_start3A_195 : memref<32x1024xf32, #tpu.memory_space<hbm>>) target(%arg13 : memref<32x1024xf32, #tpu.memory_space<vmem>>) target_semaphore(%arg22 : memref<!tpu.dma_semaphore, #tpu.memory_space<semaphore_mem>>)
      } else {
      }
      %dma_wait3A_179 = arith.constant 0 : i32
      %dma_wait3A_180 = arith.constant 0 : i32
      %dma_wait3A_181 = tpu.memref_slice %arg8[%dma_wait3A_179, %dma_wait3A_180] : memref<16384x1024xf32, #tpu.memory_space<hbm>> -> memref<32x1024xf32, #tpu.memory_space<hbm>>
      %dma_wait3A_182 = arith.constant 0 : i32
      %dma_wait3A_183 = arith.constant 0 : i32
      %dma_wait3A_184 = tpu.memref_slice %arg8[%dma_wait3A_182, %dma_wait3A_183] : memref<16384x1024xf32, #tpu.memory_space<hbm>> -> memref<32x1024xf32, #tpu.memory_space<hbm>>
      tpu.wait_dma2 semaphore(%arg25 : memref<!tpu.dma_semaphore, #tpu.memory_space<semaphore_mem>>) src(%arg14 : memref<32x1024xf32, #tpu.memory_space<vmem>>) dst(%dma_wait3A_184 : memref<32x1024xf32, #tpu.memory_space<hbm>>)
    }
    %scan3A_35 = arith.constant 8 : i32
    "tpu.trace_stop"() : () -> ()
    %dma_wait3A = tpu.memref_slice %arg5[%mul3A_6] : memref<32768xi32, #tpu.memory_space<hbm>> -> memref<1024xi32, #tpu.memory_space<hbm>>
    %dma_wait3A_36 = tpu.memref_slice %arg5[%mul3A_6] : memref<32768xi32, #tpu.memory_space<hbm>> -> memref<1024xi32, #tpu.memory_space<hbm>>
    tpu.wait_dma2 semaphore(%arg27 : memref<!tpu.dma_semaphore, #tpu.memory_space<semaphore_mem>>) src(%dma_wait3A_36 : memref<1024xi32, #tpu.memory_space<hbm>>) dst(%arg16 : memref<1024xi32, #tpu.memory_space<vmem>>)
    tpu.wait_dma2 semaphore(%arg28 : memref<!tpu.dma_semaphore, #tpu.memory_space<semaphore_mem>>) src(%arg4 : memref<4096xi32, #tpu.memory_space<hbm>>) dst(%arg17 : memref<4096xi32, #tpu.memory_space<vmem>>)
    "tpu.trace_start"() <{level = 10 : i32, message = "ph_ridx"}> : () -> ()
    %scan3A_37 = arith.constant 0 : i32
    %scan3A_38 = arith.constant 0 : i32
    %scan3A_39 = arith.constant 32 : i32
    %scan3A_40 = arith.addi %scan3A_38, %scan3A_39 : i32
    %scan3A_41 = arith.constant 1 : i32
    scf.for %scan3A_49 = %scan3A_38 to %scan3A_40 step %scan3A_41  : i32 {
      %mul3A_50 = arith.constant 16 : i32
      %mul3A_51 = arith.muli %scan3A_49, %mul3A_50 : i32
      %add3A_52 = vector.broadcast %mul3A_51 : i32 to vector<16xi32>
      %add3A_53 = arith.addi %add3A_52, %iota3A : vector<16xi32>
      %mul3A_54 = arith.constant 2 : i32
      %mul3A_55 = vector.broadcast %mul3A_54 : i32 to vector<16xi32>
      %mul3A_56 = arith.muli %add3A_53, %mul3A_55 : vector<16xi32>
      %gather3A = tpu.vector_load_idx %arg16[%mul3A_56] : memref<1024xi32, #tpu.memory_space<vmem>>[vector<16xi32>], vector<16xi32>,
      %mul3A_57 = arith.constant 16 : i32
      %mul3A_58 = arith.muli %scan3A_49, %mul3A_57 : i32
      %add3A_59 = vector.broadcast %mul3A_58 : i32 to vector<16xi32>
      %add3A_60 = arith.addi %add3A_59, %iota3A : vector<16xi32>
      %mul3A_61 = arith.constant 2 : i32
      %mul3A_62 = vector.broadcast %mul3A_61 : i32 to vector<16xi32>
      %mul3A_63 = arith.muli %add3A_60, %mul3A_62 : vector<16xi32>
      %add3A_64 = arith.constant 1 : i32
      %add3A_65 = vector.broadcast %add3A_64 : i32 to vector<16xi32>
      %add3A_66 = arith.addi %mul3A_63, %add3A_65 : vector<16xi32>
      %gather3A_67 = tpu.vector_load_idx %arg16[%add3A_66] : memref<1024xi32, #tpu.memory_space<vmem>>[vector<16xi32>], vector<16xi32>,
      %mul3A_68 = arith.constant 16 : i32
      %mul3A_69 = vector.broadcast %mul3A_68 : i32 to vector<16xi32>
      %mul3A_70 = arith.muli %gather3A, %mul3A_69 : vector<16xi32>
      %sub3A = arith.constant 1 : i32
      %sub3A_71 = vector.broadcast %sub3A : i32 to vector<16xi32>
      %sub3A_72 = arith.subi %mul3A_70, %sub3A_71 : vector<16xi32>
      %shift_right_arithmetic3A = arith.constant 5 : i32
      %shift_right_arithmetic3A_73 = vector.broadcast %shift_right_arithmetic3A : i32 to vector<16xi32>
      %shift_right_arithmetic3A_74 = arith.shrsi %sub3A_72, %shift_right_arithmetic3A_73 : vector<16xi32>
      %and3A = arith.constant 31 : i32
      %and3A_75 = vector.broadcast %and3A : i32 to vector<16xi32>
      %and3A_76 = arith.andi %sub3A_72, %and3A_75 : vector<16xi32>
      %shift_right_arithmetic3A_77 = arith.constant 1 : i32
      %shift_right_arithmetic3A_78 = vector.broadcast %shift_right_arithmetic3A_77 : i32 to vector<16xi32>
      %shift_right_arithmetic3A_79 = arith.shrsi %gather3A_67, %shift_right_arithmetic3A_78 : vector<16xi32>
      %mul3A_80 = arith.constant 64 : i32
      %mul3A_81 = vector.broadcast %mul3A_80 : i32 to vector<16xi32>
      %mul3A_82 = arith.muli %shift_right_arithmetic3A_74, %mul3A_81 : vector<16xi32>
      %add3A_83 = arith.addi %mul3A_82, %shift_right_arithmetic3A_79 : vector<16xi32>
      %gather3A_84 = tpu.vector_load_idx %arg17[%add3A_83] : memref<4096xi32, #tpu.memory_space<vmem>>[vector<16xi32>], vector<16xi32>,
      %mul3A_85 = arith.constant 8 : i32
      %mul3A_86 = vector.broadcast %mul3A_85 : i32 to vector<16xi32>
      %mul3A_87 = arith.muli %gather3A_84, %mul3A_86 : vector<16xi32>
      %shift_right_arithmetic3A_88 = arith.constant 2 : i32
      %shift_right_arithmetic3A_89 = vector.broadcast %shift_right_arithmetic3A_88 : i32 to vector<16xi32>
      %shift_right_arithmetic3A_90 = arith.shrsi %and3A_76, %shift_right_arithmetic3A_89 : vector<16xi32>
      %add3A_91 = arith.addi %mul3A_87, %shift_right_arithmetic3A_90 : vector<16xi32>
      %mul3A_92 = arith.constant 16 : i32
      %mul3A_93 = arith.muli %scan3A_49, %mul3A_92 : i32
      %swap3A = arith.index_cast %mul3A_93 : i32 to index
      %swap3A_94 = tpu.vector_load %arg18[%swap3A] {strides = array<i32>} : memref<512xi32, #tpu.memory_space<vmem>>, vector<16xi32>,
      tpu.vector_store %arg18[%swap3A], %add3A_91 {strides = array<i32>} : memref<512xi32, #tpu.memory_space<vmem>>, vector<16xi32>,
      %and3A_95 = arith.constant 3 : i32
      %and3A_96 = vector.broadcast %and3A_95 : i32 to vector<16xi32>
      %and3A_97 = arith.andi %and3A_76, %and3A_96 : vector<16xi32>
      %mul3A_98 = arith.constant 32 : i32
      %mul3A_99 = vector.broadcast %mul3A_98 : i32 to vector<16xi32>
      %mul3A_100 = arith.muli %and3A_97, %mul3A_99 : vector<16xi32>
      %and3A_101 = arith.constant 1 : i32
      %and3A_102 = vector.broadcast %and3A_101 : i32 to vector<16xi32>
      %and3A_103 = arith.andi %gather3A_67, %and3A_102 : vector<16xi32>
      %mul3A_104 = arith.constant 16 : i32
      %mul3A_105 = vector.broadcast %mul3A_104 : i32 to vector<16xi32>
      %mul3A_106 = arith.muli %and3A_103, %mul3A_105 : vector<16xi32>
      %add3A_107 = arith.addi %mul3A_100, %mul3A_106 : vector<16xi32>
      %mul3A_108 = arith.constant 16 : i32
      %mul3A_109 = arith.muli %scan3A_49, %mul3A_108 : i32
      %swap3A_110 = arith.index_cast %mul3A_109 : i32 to index
      %swap3A_111 = tpu.vector_load %arg19[%swap3A_110] {strides = array<i32>} : memref<512xi32, #tpu.memory_space<vmem>>, vector<16xi32>,
      tpu.vector_store %arg19[%swap3A_110], %add3A_107 {strides = array<i32>} : memref<512xi32, #tpu.memory_space<vmem>>, vector<16xi32>,
    }
    %scan3A_42 = arith.constant 32 : i32
    "tpu.trace_stop"() : () -> ()
    "tpu.trace_start"() <{level = 10 : i32, message = "ph_ghost"}> : () -> ()
    %scan3A_43 = arith.constant 0 : i32
    %scan3A_44 = arith.constant 0 : i32
    %scan3A_45 = arith.constant 4 : i32
    %scan3A_46 = arith.addi %scan3A_44, %scan3A_45 : i32
    %scan3A_47 = arith.constant 1 : i32
    scf.for %scan3A_49 = %scan3A_44 to %scan3A_46 step %scan3A_47  : i32 {
      %mul3A_50 = arith.constant 128 : i32
      %mul3A_51 = arith.muli %scan3A_49, %mul3A_50 : i32
      %dma_start3A_52 = tpu.memref_slice %arg18[%mul3A_51] : memref<512xi32, #tpu.memory_space<vmem>> -> memref<128xi32, #tpu.memory_space<vmem>>
      %dma_start3A_53 = arith.constant 0 : i32
      %dma_start3A_54 = arith.constant 0 : i32
      %dma_start3A_55 = tpu.memref_slice %arg2[%dma_start3A_53, %dma_start3A_54] : memref<32768x128xf32, #tpu.memory_space<hbm>> -> memref<32768x128xf32, #tpu.memory_space<hbm>>
      tpu.enqueue_indirect_dma source(%dma_start3A_55 : memref<32768x128xf32, #tpu.memory_space<hbm>>) target(%arg20 : memref<128x128xf32, #tpu.memory_space<vmem>>) offsets(%dma_start3A_52 : memref<128xi32, #tpu.memory_space<vmem>>) semaphore(%arg28 : memref<!tpu.dma_semaphore, #tpu.memory_space<semaphore_mem>>)
      %dma_wait3A_56 = tpu.memref_slice %arg18[%mul3A_51] : memref<512xi32, #tpu.memory_space<vmem>> -> memref<128xi32, #tpu.memory_space<vmem>>
      %dma_wait3A_57 = arith.constant 0 : i32
      %dma_wait3A_58 = arith.constant 0 : i32
      %dma_wait3A_59 = tpu.memref_slice %arg2[%dma_wait3A_57, %dma_wait3A_58] : memref<32768x128xf32, #tpu.memory_space<hbm>> -> memref<32768x128xf32, #tpu.memory_space<hbm>>
      tpu.wait_indirect_dma semaphore(%arg28 : memref<!tpu.dma_semaphore, #tpu.memory_space<semaphore_mem>>) src(%dma_wait3A_59 : memref<32768x128xf32, #tpu.memory_space<hbm>>) dst(%arg20 : memref<128x128xf32, #tpu.memory_space<vmem>>)
      %scan3A_60 = arith.constant 0 : i32
      %scan3A_61 = arith.constant 0 : i32
      %scan3A_62 = arith.constant 128 : i32
      %scan3A_63 = arith.addi %scan3A_61, %scan3A_62 : i32
      %scan3A_64 = arith.constant 1 : i32
      scf.for %scan3A_69 = %scan3A_61 to %scan3A_63 step %scan3A_64  : i32 {
        %broadcast_in_dim3A = arith.constant 0 : i32
        %broadcast_in_dim3A_70 = vector.broadcast %broadcast_in_dim3A : i32 to vector<16xi32>
        %add3A_71 = vector.broadcast %scan3A_69 : i32 to vector<16xi32>
        %add3A_72 = arith.addi %broadcast_in_dim3A_70, %add3A_71 : vector<16xi32>
        %mul3A_73 = arith.constant 128 : i32
        %mul3A_74 = arith.muli %scan3A_49, %mul3A_73 : i32
        %add3A_75 = vector.broadcast %mul3A_74 : i32 to vector<16xi32>
        %add3A_76 = arith.addi %add3A_72, %add3A_75 : vector<16xi32>
        %gather3A = tpu.vector_load_idx %arg19[%add3A_76] : memref<512xi32, #tpu.memory_space<vmem>>[vector<16xi32>], vector<16xi32>,
        %add3A_77 = arith.addi %gather3A, %iota3A : vector<16xi32>
        %gather3A_78 = tpu.vector_load_idx %arg20[%add3A_72, %add3A_77] : memref<128x128xf32, #tpu.memory_space<vmem>>[vector<16xi32>, vector<16xi32>], vector<16xf32>,
        %mul3A_79 = arith.constant 2 : i32
        %mul3A_80 = vector.broadcast %mul3A_79 : i32 to vector<16xi32>
        %mul3A_81 = arith.muli %iota3A, %mul3A_80 : vector<16xi32>
        tpu.vector_store_idx %arg21[%add3A_72, %mul3A_81], %gather3A_78 : memref<128x32xf32, #tpu.memory_space<vmem>>[vector<16xi32>, vector<16xi32>], vector<16xf32>,
        %mul3A_82 = arith.constant 2 : i32
        %mul3A_83 = vector.broadcast %mul3A_82 : i32 to vector<16xi32>
        %mul3A_84 = arith.muli %iota3A, %mul3A_83 : vector<16xi32>
        %add3A_85 = arith.constant 1 : i32
        %add3A_86 = vector.broadcast %add3A_85 : i32 to vector<16xi32>
        %add3A_87 = arith.addi %mul3A_84, %add3A_86 : vector<16xi32>
        tpu.vector_store_idx %arg21[%add3A_72, %add3A_87], %gather3A_78 : memref<128x32xf32, #tpu.memory_space<vmem>>[vector<16xi32>, vector<16xi32>], vector<16xf32>,
      }
      %scan3A_65 = arith.constant 128 : i32
      %mul3A_66 = arith.constant 128 : i32
      %mul3A_67 = arith.muli %scan3A_49, %mul3A_66 : i32
      %add3A_68 = arith.addi %mul3A_4, %mul3A_67 : i32
      "tpu.region"() ({
        %run_scoped3A = tpu.sem_alloc : memref<!tpu.dma_semaphore, #tpu.memory_space<semaphore_mem>>
        %dma_start3A_69 = arith.constant 0 : i32
        %dma_start3A_70 = tpu.memref_slice %arg9[%add3A_68, %dma_start3A_69] : memref<16384x32xf32, #tpu.memory_space<hbm>> -> memref<128x32xf32, #tpu.memory_space<hbm>>
        %dma_start3A_71 = arith.constant 0 : i32
        %dma_start3A_72 = tpu.memref_slice %arg9[%add3A_68, %dma_start3A_71] : memref<16384x32xf32, #tpu.memory_space<hbm>> -> memref<128x32xf32, #tpu.memory_space<hbm>>
        tpu.enqueue_dma source(%arg21 : memref<128x32xf32, #tpu.memory_space<vmem>>) target(%dma_start3A_72 : memref<128x32xf32, #tpu.memory_space<hbm>>) target_semaphore(%run_scoped3A : memref<!tpu.dma_semaphore, #tpu.memory_space<semaphore_mem>>)
        %dma_wait3A_73 = arith.constant 0 : i32
        %dma_wait3A_74 = tpu.memref_slice %arg9[%add3A_68, %dma_wait3A_73] : memref<16384x32xf32, #tpu.memory_space<hbm>> -> memref<128x32xf32, #tpu.memory_space<hbm>>
        %dma_wait3A_75 = arith.constant 0 : i32
        %dma_wait3A_76 = tpu.memref_slice %arg9[%add3A_68, %dma_wait3A_75] : memref<16384x32xf32, #tpu.memory_space<hbm>> -> memref<128x32xf32, #tpu.memory_space<hbm>>
        tpu.wait_dma2 semaphore(%run_scoped3A : memref<!tpu.dma_semaphore, #tpu.memory_space<semaphore_mem>>) src(%arg21 : memref<128x32xf32, #tpu.memory_space<vmem>>) dst(%dma_wait3A_76 : memref<128x32xf32, #tpu.memory_space<hbm>>)
        tpu.yield
      }) : () -> ()
    }
    %scan3A_48 = arith.constant 4 : i32
    "tpu.trace_stop"() : () -> ()
    return
  }
}

</mosaic_0001>

<sc_bundles>
// kernel: kernel.3.cloned.1.call-start
scs
__scs_entry_jumppad:
0x0: {  	(pc) =	sbr.rel $0x88, $3  }
0x1: {  	(tag) =	ssettag $0x0;
	lr =	simm.s32 $0x1  }
0x2: {  	[smem:$0x3F9B] =	sst lr;
	_ =	strace $0xD0000000  }
0x3: {  	_ = 	snop  }
0x4: {  	_ = 	snop  }
0x5: {  	_ = 	snop  }
0x6: {  	_ = 	snop  }
0x7: {  	_ = 	snop  }
__scs_overlays_trampoline_lowered:
0x8: {  	[smem:$0x3FAA] =	sst s0  }
0x9: {  	[smem:$0x3FAB] =	sst s1  }
0xa: {  	[smem:$0x3FAC] =	sst s2  }
0xb: {  	[smem:$0x3FAD] =	sst s3  }
0xc: {  	[smem:$0x3FAE] =	sst s4  }
0xd: {  	[smem:$0x3FAF] =	sst s5  }
0xe: {  	[smem:$0x3FB0] =	sst s6  }
0xf: {  	[smem:$0x3FB1] =	sst s7  }
0x10: {  	[smem:$0x3FB2] =	sst s8  }
0x11: {  	[smem:$0x3FB3] =	sst s9;
	s0 =	simm.s32 @!p0 $0x0  }
0x12: {  	s1 =	sld [smem:$0x3F99];
	s0 =	simm.s32 @p0 $0x1  }
0x13: {  	[smem:$0x3FB4] =	sst s0;
	s0 =	simm.s32 @!p1 $0x0  }
0x14: {  	s2 =	sld [smem:$0x3F98];
	s0 =	simm.s32 @p1 $0x1  }
0x15: {  	[smem:$0x3FB5] =	sst s0;
	s0 =	simm.s32 @!p2 $0x0  }
0x16: {  	s3 =	sld [smem:$0x3FDB];
	s0 =	simm.s32 @p2 $0x1  }
0x17: {  	s4 =	simm.s32 $0x1BF5;
	[smem:$0x3FB7] =	sst s0  }
0x18: {  	s0 =	sld [smem:$0x3F9A];
	_ =	swait.ge [sflag:s4], $0x0  }
0x19: {  	s7 =	sld [smem:$0x3F9B]  }
0x1a: {  	s8 =	sadd.s32 $0xFFFFE003, lr  }
0x1b: {  	s9 =	sadd.s32 $0xFFFFFEF7, lr;
	s5 =	simm.s32 $0xFFFFFFFF;
	p2 =	slt.u32 s8, $0xFFFFF086  }
0x1c: {  	p1 =	slt.u32 s9, $0xF7A;
	s5 =	simm.s32 @!p2 $0x0  }
0x1d: {  	s5 =	simm.s32 @p1 $0x1;
	p0 =	seq.s32 s7, s2  }
0x1e: {  	s7 =	smul.u32 @!p0 $0xF7A, s2;
	p2 =	seq.s32 @!p0 s5, $0x0  }
0x1f: {  	s9 =	smul.u32 $0xF7A, s1;
	s8 =	simm.s32 @!p0 $0x1BF5;
	p2 =	por !p2, p0  }
0x20: {  	[sflag:s8] =	ssyncset.s32 @!p0 $0xFFFFF086;
	s6 =	sadd.s32 @!p0 s3, s7;
	s7 =	simm.s32 @!p0 $0x108  }
0x21: {  	s3 =	sadd.s32 s3, s9;
	s6 =	sadd.s32 @!p0 $0x88, s6;
	s7 =	simm.s32 @p2 $0x1082  }
0x22: {  	[simem:s7], [sflag:s8] =	dma.local @!p0 [hbm:s6], $0xF7A  }
0x23: {  	s9 =	sor.u32 $0xD0000000, s2;
	s6 =	simm.s32 $0x108;
	_ =	swait.ge @!p0 [sflag:s8], $0x0  }
0x24: {  	s3 =	sadd.s32 $0x88, s3;
	s6 =	simm.s32 @!p1 $0x1082;
	[sflag:s4] =	ssyncset.s32 $0xFFFFF086  }
0x25: {  	[simem:s6], [sflag:s4] =	dma.local [hbm:s3], $0xF7A  }
0x26: {  	[smem:$0x3F9B] =	sst s1;
	(tag) =	ssettag s2;
	_ =	strace s9  }
0x27: {  	s1 =	sld [smem:$0x3FAB]  }
0x28: {  	s2 =	sld [smem:$0x3FAC]  }
0x29: {  	s4 =	sld [smem:$0x3FAE]  }
0x2a: {  	p0 =	seq.s32 s5, $0x0;
	s5 =	sld [smem:$0x3FAF]  }
0x2b: {  	s6 =	sld [smem:$0x3FB0]  }
0x2c: {  	s7 =	sld [smem:$0x3FB1]  }
0x2d: {  	s3 =	simm.s32 $0x108;
	s8 =	sld [smem:$0x3FB2]  }
0x2e: {  	s3 =	simm.s32 @!p0 $0x1082;
	s9 =	sld [smem:$0x3FB3]  }
0x2f: {  	lr =	sadd.s32 s0, s3;
	s0 =	sld [smem:$0x3FAA]  }
0x30: {  	s3 =	sld [smem:$0x3FAD]  }
0x31: {  	[smem:$0x3FB6] =	sst s10  }
0x32: {  	s10 =	sld [smem:$0x3FB4];
	_ =	sdelay $0x3  }
0x33: {  	p0 =	seq.s32 s10, $0x1;
	s10 =	sld [smem:$0x3FB6];
	_ =	sdelay $0x3  }
0x34: {  	[smem:$0x3FB6] =	sst s10  }
0x35: {  	s10 =	sld [smem:$0x3FB5];
	_ =	sdelay $0x3  }
0x36: {  	p1 =	seq.s32 s10, $0x1;
	s10 =	sld [smem:$0x3FB6];
	_ =	sdelay $0x3  }
0x37: {  	[smem:$0x3FB6] =	sst s10  }
0x38: {  	s10 =	sld [smem:$0x3FB7]  }
0x39: {  	_ = 	snop;
	(pc) =	sbr.ind lr, $3  }
0x3a: {  	_ = 	snop  }
0x3b: {  	_ = 	snop  }
0x3c: {  	p2 =	seq.s32 s10, $0x1;
	s10 =	sld [smem:$0x3FB6]  }
0x3d: {  	_ =	shalt  }
0x3e: {  	_ =	shalt  }
0x3f: {  	_ =	shalt  }
0x40: {  	_ =	shalt  }
0x41: {  	_ =	shalt  }
0x42: {  	_ =	shalt  }
0x43: {  	_ =	shalt  }
0x44: {  	_ =	shalt  }
0x45: {  	_ =	shalt  }
0x46: {  	_ =	shalt  }
0x47: {  	_ =	shalt  }
0x48: {  	_ =	shalt  }
0x49: {  	_ =	shalt  }
0x4a: {  	_ =	shalt  }
0x4b: {  	_ =	shalt  }
0x4c: {  	_ =	shalt  }
0x4d: {  	_ =	shalt  }
0x4e: {  	_ =	shalt  }
0x4f: {  	_ =	shalt  }
0x50: {  	_ =	shalt  }
0x51: {  	_ =	shalt  }
0x52: {  	_ =	shalt  }
0x53: {  	_ =	shalt  }
0x54: {  	_ =	shalt  }
0x55: {  	_ =	shalt  }
0x56: {  	_ =	shalt  }
0x57: {  	_ =	shalt  }
0x58: {  	_ =	shalt  }
0x59: {  	_ =	shalt  }
0x5a: {  	_ =	shalt  }
0x5b: {  	_ =	shalt  }
0x5c: {  	_ =	shalt  }
0x5d: {  	_ =	shalt  }
0x5e: {  	_ =	shalt  }
0x5f: {  	_ =	shalt  }
0x60: {  	_ =	shalt  }
0x61: {  	_ =	shalt  }
0x62: {  	_ =	shalt  }
0x63: {  	_ =	shalt  }
0x64: {  	_ =	shalt  }
0x65: {  	_ =	shalt  }
0x66: {  	_ =	shalt  }
0x67: {  	_ =	shalt  }
0x68: {  	_ =	shalt  }
0x69: {  	_ =	shalt  }
0x6a: {  	_ =	shalt  }
0x6b: {  	_ =	shalt  }
0x6c: {  	_ =	shalt  }
0x6d: {  	_ =	shalt  }
0x6e: {  	_ =	shalt  }
0x6f: {  	_ =	shalt  }
0x70: {  	_ =	shalt  }
0x71: {  	_ =	shalt  }
0x72: {  	_ =	shalt  }
0x73: {  	_ =	shalt  }
0x74: {  	_ =	shalt  }
0x75: {  	_ =	shalt  }
0x76: {  	_ =	shalt  }
0x77: {  	_ =	shalt  }
0x78: {  	_ =	shalt  }
0x79: {  	_ =	shalt  }
0x7a: {  	_ =	shalt  }
0x7b: {  	_ =	shalt  }
0x7c: {  	_ =	shalt  }
0x7d: {  	_ =	shalt  }
0x7e: {  	_ =	shalt  }
0x7f: {  	_ =	shalt  }
0x80: {  	_ =	shalt  }
0x81: {  	_ =	shalt  }
0x82: {  	_ =	shalt  }
0x83: {  	_ =	shalt  }
0x84: {  	_ =	shalt  }
0x85: {  	_ =	shalt  }
0x86: {  	_ =	shalt  }
0x87: {  	_ =	shalt  }
.Lfunc_end0:
.L_simem_size_0:
called_computation_lowered:
.L_overlay_start_0:
0x88: {  	s2 =	sld [smem:$0x3FD9]  }
0x89: {  	s3 =	sld [smem:$0x3FFE];
	_ =	sdelay $0x1  }
0x8a: {  	s1 =	srdreg.scid  }
0x8b: {  	s0 =	sand.u32 $0x1, s1  }
0x8c: {  	s14 =	sshll.u32 s0, $0xA;
	s2 =	sadd.s32 s3, s2  }
0x8d: {  	s2 =	sadd.s32 s2, s14  }
0x8e: {  	[smem:$0x3FC2] =	sst s2  }
0x8f: {  	_ = 	snop  }
0x90: {  	s2 =	sld [smem:$0x3FD0];
	_ =	sdelay $0x2  }
0x91: {  	s4 =	simm.s32 $0xA;
	s5 =	simm.s32 $0x10;
	s15 =	sld [smem:$0x3FC5]  }
0x92: {  	[smem:s5], [sflag:s4] =	dma.local [hbm:s2], $0x1  }
0x93: {  	_ =	swait.eq [sflag:s4], $0x1  }
0x94: {  	[sflag:s4] =	ssyncset.done $0x0  }
0x95: {  	s16 =	sld [smem:$0x10];
	[sflag:s4] =	ssyncadd.s32 $0xFFFFFFFF  }
0x96: {  	s17 =	sld [smem:$0x11];
	(tm) =	ssettm $0x1  }
0x97: {  	s18 =	sld [smem:$0x3FFB];
	_ =	sdelay $0x3  }
0x98: {  	_ =	strace s18  }
0x99: {  	s5 =	sld [smem:$0x3FFC];
	_ =	sdelay $0x3  }
0x9a: {  	_ =	strace s5  }
0x9b: {  	s5 =	sld [smem:$0x3FFD];
	_ =	sdelay $0x3  }
0x9c: {  	_ =	strace s5  }
0x9d: {  	_ =	strace $0x8FFFFFFF  }
0x9e: {  	s19 =	sld [smem:$0x3FDB];
	_ =	sdelay $0x1  }
0x9f: {  	s6 =	simm.s32 $_scs_section_size  }
0xa0: {  	s7 =	simm.s32 $_size__tile_overlayer_lowered;
	s8 =	simm.s32 $_tile_overlayer_lowered  }
0xa1: {  	s22 =	simm.s32 $0x1BFF;
	s21 =	sshll.u32 s8, $0x1;
	s5 =	sadd.s32 s6, s19  }
0xa2: {  	s9 =	simm.s32 $0x0;
	s20 =	sshll.u32 s7, $0x1;
	s7 =	sadd.s32 s21, s5  }
0xa3: {  	[timem:s9], [sflag:s22] =	dma.local [hbm:s7], s20  }
0xa4: {  	_ =	swait.ge [sflag:s22], s20  }
0xa5: {  	s6 =	ssub.s32 $0x0, s20;
	[sflag:s22] =	ssyncset.done $0x0  }
0xa6: {  	[sflag:s22] =	ssyncadd.s32 s6;
	_ =	sdelay $0x1  }
0xa7: {  	s23 =	simm.s32 $0x1B8B  }
0xa8: {  	_ =	swait.ge [sflag:s23], $0x1  }
0xa9: {  	[sflag:s23] =	ssyncset.done $0x0  }
0xaa: {  	s25 =	simm.s32 $0x1B8E;
	s24 =	sld [smem:$0x3FFE];
	[sflag:s23] =	ssyncadd.s32 $0xFFFFFFFF  }
0xab: {  	s26 =	simm.s32 $execute0_lowered;
	[smem:$0x3FD2] =	sst s25  }
0xac: {  	s7 =	sshll.u32 s26, $0x1;
	_ =	strace $0x80000046;
	[dreg:$0x1] =	wrdreg $0xFFFFFFFF  }
0xad: {  	s28 =	simm.s32 $_size_execute0_lowered;
	s5 =	sadd.s32 s5, s7;
	[dreg:$0x0] =	wrdreg $0x0  }
0xae: {  	s7 =	sshll.u32 s28, $0x1;
	[dreg:$0x2] =	wrdreg s5  }
0xaf: {  	[dreg:$0x3] =	wrdreg s7  }
0xb0: {  	[dreg:$0x4] =	wrdreg $0xC0  }
0xb1: {  	_ =	task [dreg:s9], $0x5FFFF  }
0xb2: {  	[dreg:$0x1] =	wrdreg $0xFFFFFFFF  }
0xb3: {  	[dreg:$0x0] =	wrdreg $0x60  }
0xb4: {  	[dreg:$0x2] =	wrdreg s24  }
0xb5: {  	[dreg:$0x3] =	wrdreg s16  }
0xb6: {  	[dreg:$0x4] =	wrdreg s17  }
0xb7: {  	[dreg:$0x5] =	wrdreg s15  }
0xb8: {  	[dreg:$0x6] =	wrdreg $0x9  }
0xb9: {  	_ =	task.clear_ibuf [dreg:s9], $0x7FFFF;
	_ =	strace $0x90000046  }
0xba: {  	s29 =	simm.s32 $0x9;
	_ =	strace $0x8000004C  }
0xbb: {  	_ =	swait.ge [sflag:s29], $0x1  }
0xbc: {  	[sflag:s29] =	ssyncadd.s32 $0xFFFFFFFF  }
0xbd: {  	_ =	strace $0x9000004C  }
0xbe: {  	_ =	sfence  }
0xbf: {  	s30 =	sld [smem:$0x0];
	_ =	sdelay $0x2  }
0xc0: {  	s31 =	sshll.u32 s1, $0xD;
	s1 =	sshrl.u32 s1, $0x2  }
0xc1: {  	s3 =	sand.u32 $0x4000, s31;
	s1 =	sadd.s32 s1, s30  }
0xc2: {  	s0 =	sor.u32 s3, s0;
	s1 =	sshll.u32 s1, $0x11  }
0xc3: {  	s0 =	sor.u32 s1, s0  }
0xc4: {  	s0 =	sadd.s32 $0x8F2B, s0  }
0xc5: {  	[sflag:s0] =	ssyncadd.remote.s32 $0x1  }
0xc6: {  	_ =	sfence.sel $0xFFFF  }
0xc7: {  	[dreg:$0x0] =	wrdreg $0xFFFFFFFF;
	(pc) =	sbr.abs _section_cstart, $3  }
0xc8: {  	[dreg:$0x1] =	wrdreg $0xFFFFFFFF  }
0xc9: {  	_ =	task.clear_ibuf [dreg:s9], $0x2FFFF;
	_ =	strace $0x9FFFFFFF  }
0xca: {  	(tm) =	ssettm $0x7FFFFFFF  }
0xcb: {  	_ =	shalt  }
tec
execute0_lowered:
.L_overlay_start_1:
0x0: {  	(tag) =	ssettag $0x1  }
0x1: {  	s0 =	rddreg [dreg:$0x0]  }
0x2: {  	s22 =	rddreg [dreg:$0x1]  }
0x3: {  	s1 =	rddreg [dreg:$0x2];
	s3 =	simm.s32 $0x0  }
0x4: {  	s25 =	srdreg.scid;
	s6 =	stileid.u32;
	s18 =	simm.s32 $0x15280  }
0x5: {  	s19 =	simm.s32 $0x15680;
	s20 =	simm.s32 $0x8;
	s11 =	simm.s32 $0x4  }
0x6: {  	s17 =	simm.s32 $0x7;
	s12 =	simm.s32 $0x16A80;
	s21 =	simm.s32 $0x16880  }
0x7: {  	[smem:$0x7FF] =	sst s3;
	s2 =	sadd.s32 $0x81C00, s0;
	s24 =	sadd.s32 $0x1A00, s0  }
0x8: {  	s7 =	sadd.s32 $0x1C00, s0;
	s8 =	sadd.s32 $0x101C00, s0;
	s5 =	sadd.s32 $0x301C00, s0  }
0x9: {  	_ =	strace $0x80000047;
	[dreg:$0x5] =	wrdreg s2;
	s2 =	sand.u32 $0x1, s25  }
0xa: {  	s13 =	sadd.s32 $0x1D00, s0;
	s4 =	ssub.s32 $0x2, s2;
	s2 =	sshll.u32 s2, $0x4  }
0xb: {  	s14 =	sadd.s32 $0x1E00, s0;
	[dreg:$0x6] =	wrdreg s24;
	s2 =	sor.u32 s6, s2  }
0xc: {  	s15 =	sadd.s32 $0x1F00, s0;
	[dreg:$0x7] =	wrdreg s5;
	s28 =	sshll.u32 s2, $0x7  }
0xd: {  	s26 =	sshrl.u32 s4, $0x1;
	s6 =	sshll.u32 s2, $0x10;
	s1 =	sadd.s32 s1, s28  }
0xe: {  	s10 =	sshll.u32 s2, $0x9;
	s29 =	sadd.s32 s22, s6;
	[dreg:$0x8] =	wrdreg s1  }
0xf: {  	v1 =	vimm.s32 $0xFFFFFFFF;
	v2 =	vlaneseq.u32;
	v3 =	vimm.s32 $0x0;
	s4 =	ssub.s32 s4, s26;
	s30 =	sor.u32 $0x40, s10;
	[dreg:$0x9] =	wrdreg s29  }
0x10: {  	vm0 =	vmmov $0xffff;
	v4 =	vand.u32 $0x7, v2;
	v5 =	vshrl.u32 v2, $0x3;
	s2 =	simm.s32 $0x0;
	s31 =	smax.u32 s4, $0x1;
	[dreg:$0xa] =	wrdreg s30  }
0x11: {  	v6 =	vor.u32 $0x8, v2;
	v5 =	vmul.u32 $0x8, v5;
	s6 =	simm.s32 $0x5;
	v0 =	vmov s10;
	[dreg:$0xb] =	wrdreg s31;
	s1 =	simm.s32 $0x1AA80  }
.LBB2_1:
0x12: {  	[dreg:$0xc] =	wrdreg s2  }
0x13: {  	s0 =	rddreg [dreg:$0x8]  }
0x14: {  	[tilespmem:s18], [sflag:$0x6] =	stream.linear.gather [hbm4b:s0+s3], $0x400, $0x38;
	[tilespmem:$0x1EA80] =	vst v63  }
0x15: {  	s28 =	rddreg [dreg:$0x6]  }
0x16: {  	[tilespmem:s19], [sflag:$0x7] =	stream.linear.gather [hbm4b:s28+s3], $0x1000, $0x38;
	[tilespmem:$0x1EA80] =	vst v63  }
0x17: {  	s29 =	rddreg [dreg:$0x3]  }
0x18: {  	[tilespmem:s3], [sflag:$0x8] =	stream.linear.gather [hbm4b:s29+s3], $0x1000, $0x38;
	[tilespmem:$0x1EA80] =	vst v63  }
0x19: {  	_ =	swait.ge [sflag:s20], $0x1000  }
0x1a: {  	[sflag:s20] =	ssyncset.done $0x0  }
0x1b: {  	[sflag:s20] =	ssyncadd.s32 $0xFFFFF000  }
0x1c: {  	[tilespmem:$0x1000] =	vst v1  }
0x1d: {  	[tilespmem:$0x1010] =	vst v1  }
0x1e: {  	[tilespmem:$0x1020] =	vst v1  }
0x1f: {  	[tilespmem:$0x1030] =	vst v1  }
0x20: {  	[tilespmem:$0x1040] =	vst v1  }
0x21: {  	[tilespmem:$0x1050] =	vst v1  }
0x22: {  	[tilespmem:$0x1060] =	vst v1  }
0x23: {  	[tilespmem:$0x1070] =	vst v1  }
0x24: {  	[tilespmem:$0x1080] =	vst v1  }
0x25: {  	[tilespmem:$0x1090] =	vst v1  }
0x26: {  	[tilespmem:$0x10A0] =	vst v1  }
0x27: {  	[tilespmem:$0x10B0] =	vst v1  }
0x28: {  	[tilespmem:$0x10C0] =	vst v1  }
0x29: {  	[tilespmem:$0x10D0] =	vst v1  }
0x2a: {  	[tilespmem:$0x10E0] =	vst v1  }
0x2b: {  	[tilespmem:$0x10F0] =	vst v1  }
0x2c: {  	[tilespmem:$0x1100] =	vst v1  }
0x2d: {  	[tilespmem:$0x1110] =	vst v1  }
0x2e: {  	[tilespmem:$0x1120] =	vst v1  }
0x2f: {  	[tilespmem:$0x1130] =	vst v1  }
0x30: {  	[tilespmem:$0x1140] =	vst v1  }
0x31: {  	[tilespmem:$0x1150] =	vst v1  }
0x32: {  	[tilespmem:$0x1160] =	vst v1  }
0x33: {  	[tilespmem:$0x1170] =	vst v1  }
0x34: {  	[tilespmem:$0x1180] =	vst v1  }
0x35: {  	[tilespmem:$0x1190] =	vst v1  }
0x36: {  	[tilespmem:$0x11A0] =	vst v1  }
0x37: {  	[tilespmem:$0x11B0] =	vst v1  }
0x38: {  	[tilespmem:$0x11C0] =	vst v1  }
0x39: {  	[tilespmem:$0x11D0] =	vst v1  }
0x3a: {  	[tilespmem:$0x11E0] =	vst v1  }
0x3b: {  	s31 =	simm.s32 $0x1280;
	s30 =	rddreg [dreg:$0x9];
	[tilespmem:$0x11F0] =	vst v1  }
0x3c: {  	[tilespmem:s31], [sflag:$0x1] =	stream.linear.gather [hbm4b:s30+s3], $0x8000, $0x38;
	[tilespmem:$0x1EA80] =	vst v63  }
0x3d: {  	s4 =	simm.s32 $0x20;
	s9 =	simm.s32 $0x0;
	_ =	strace $0x80000048  }
.LBB2_2:
0x3e: {  	v7 =	vld [tilespmem:s4+$0xFFFFFFE0];
	_ =	sdelay $0x4  }
0x3f: {  	v7 =	vsub.s32 v7, v0  }
0x40: {  	vm1 =	vlt.u32 v7, $0x200  }
0x41: {  	v8 =	vsel vm1, $0x1, v3  }
0x42: {  	(xrf0) =	vadd.scan.msk.s32 $0xffff, v8;
	_ =	sdelay $0x5  }
0x43: {  	v8, _, _ =	vpop (xrf0)  }
0x44: {  	(v2sf) =	vpush v8, $0xF;
	_ =	sdelay $0xe  }
0x45: {  	s16 =	spop (v2sf)  }
0x46: {  	p0 =	slt.s32 s16, $0x1  }
0x47: {  	v8 =	vshll.u32 @!p0 v7, $0xC  }
0x48: {  	v9 =	vlaneseq.u32 @!p0;
	v8 =	vadd.s32 @!p0 s9, v8  }
0x49: {  	vm1 =	vlt.u32 @!p0 v7, $0x200;
	v7 =	vadd.s32 @!p0 v9, v8  }
0x4a: {  	v7 =	vnsel @!p0 vm1, $0x7FFFFFFF, v7  }
0x4b: {  	v8 =	vxor.u32 @!p0 $0x80000000, v7  }
0x4c: {  	(xrf1) =	vsort.ascd.msk.u32 @!p0 $0xffff, v8, v7;
	_ =	sdelay $0x4  }
0x4d: {  	v7 =	vimm.s32 @!p0 $0xFFEDCBA9;
	v8 =	vimm.s32 @!p0 $0x87654321  }
0x4e: {  	v7 =	vunpack.c.l.s4.s8 @!p0 v7;
	v8 =	vunpack.c.l.s4.s8 @!p0 v8;
	_ =	sdelay $0x1  }
0x4f: {  	v7 =	vunpack.c.0.s8.s32 @!p0 v7;
	v8 =	vunpack.c.0.s8.s32 @!p0 v8;
	_ =	sdelay $0x1  }
0x50: {  	v7 =	vcombine.low @!p0 v8, v7;
	_ =	sdelay $0x1  }
0x51: {  	v7 =	vand.u32 @!p0 $0xF, v7;
	_ =	sdelay $0x1  }
0x52: {  	v8, _, _ =	vpop @!p0 (xrf1)  }
0x53: {  	v9 =	vxor.u32 @!p0 $0x80000000, v8  }
0x54: {  	s16 =	simm.s32 @!p0 $0x1200;
	[tilespmem:$0x1200] =	vst @!p0 v9  }
0x55: {  	v7 =	vld.idx.msk @!p0 [tilespmem:v7+s16+$0x0], $0xffff;
	_ =	sdelay $0x4  }
0x56: {  	v9 =	vshra.s32 @!p0 v9, $0xC;
	v7 =	vshra.s32 @!p0 v7, $0xC  }
0x57: {  	vm2 =	vcmask @!p0 $0x3F3C;
	vm1 =	vne.s32 @!p0 v9, v7  }
0x58: {  	vm1 =	vmor @!p0 vm1, vm2;
	vm2 =	vne.s32 @!p0 v8, $0xFFFFFFFF  }
0x59: {  	vm1 =	vmand @!p0 vm2, vm1  }
0x5a: {  	v7 =	vnsel @!p0 vm1, $0x0, v9;
	_ =	sdelay $0x3  }
0x5b: {  	s16 =	simm.s32 @!p0 $0x1000;
	v8 =	vand.u32 @!p0 $0xFFF, v8  }
0x5c: {  	[tilespmem:v7+s16+$0x0] =	vst.idx.msk @!p0 vm1, v8  }
0x5d: {  	v7 =	vld [tilespmem:s4+$0xFFFFFFF0];
	_ =	sdelay $0x4  }
0x5e: {  	v7 =	vsub.s32 v7, v0  }
0x5f: {  	vm1 =	vlt.u32 v7, $0x200  }
0x60: {  	v8 =	vsel vm1, $0x1, v3  }
0x61: {  	(xrf0) =	vadd.scan.msk.s32 $0xffff, v8;
	_ =	sdelay $0x5  }
0x62: {  	v8, _, _ =	vpop (xrf0)  }
0x63: {  	(v2sf) =	vpush v8, $0xF;
	_ =	sdelay $0xe  }
0x64: {  	s29 =	spop (v2sf)  }
0x65: {  	p0 =	slt.s32 s29, $0x1  }
0x66: {  	s16 =	sadd.s32 $0x10, s9;
	v8 =	vshll.u32 @!p0 v7, $0xC  }
0x67: {  	v9 =	vlaneseq.u32 @!p0;
	v8 =	vadd.s32 @!p0 s16, v8  }
0x68: {  	vm1 =	vlt.u32 @!p0 v7, $0x200;
	v7 =	vadd.s32 @!p0 v9, v8  }
0x69: {  	v7 =	vnsel @!p0 vm1, $0x7FFFFFFF, v7  }
0x6a: {  	v8 =	vxor.u32 @!p0 $0x80000000, v7  }
0x6b: {  	(xrf1) =	vsort.ascd.msk.u32 @!p0 $0xffff, v8, v7;
	_ =	sdelay $0x4  }
0x6c: {  	v7 =	vimm.s32 @!p0 $0xFFEDCBA9;
	v8 =	vimm.s32 @!p0 $0x87654321  }
0x6d: {  	v7 =	vunpack.c.l.s4.s8 @!p0 v7;
	v8 =	vunpack.c.l.s4.s8 @!p0 v8;
	_ =	sdelay $0x1  }
0x6e: {  	v7 =	vunpack.c.0.s8.s32 @!p0 v7;
	v8 =	vunpack.c.0.s8.s32 @!p0 v8;
	_ =	sdelay $0x1  }
0x6f: {  	v7 =	vcombine.low @!p0 v8, v7;
	_ =	sdelay $0x1  }
0x70: {  	v7 =	vand.u32 @!p0 $0xF, v7;
	_ =	sdelay $0x1  }
0x71: {  	v8, _, _ =	vpop @!p0 (xrf1)  }
0x72: {  	v9 =	vxor.u32 @!p0 $0x80000000, v8  }
0x73: {  	s16 =	simm.s32 @!p0 $0x1200;
	[tilespmem:$0x1200] =	vst @!p0 v9  }
0x74: {  	v7 =	vld.idx.msk @!p0 [tilespmem:v7+s16+$0x0], $0xffff;
	_ =	sdelay $0x4  }
0x75: {  	v9 =	vshra.s32 @!p0 v9, $0xC;
	v7 =	vshra.s32 @!p0 v7, $0xC  }
0x76: {  	vm2 =	vcmask @!p0 $0x3F3C;
	vm1 =	vne.s32 @!p0 v9, v7  }
0x77: {  	vm1 =	vmor @!p0 vm1, vm2;
	vm2 =	vne.s32 @!p0 v8, $0xFFFFFFFF  }
0x78: {  	vm1 =	vmand @!p0 vm2, vm1  }
0x79: {  	v7 =	vnsel @!p0 vm1, $0x0, v9;
	_ =	sdelay $0x3  }
0x7a: {  	s16 =	simm.s32 @!p0 $0x1000;
	v8 =	vand.u32 @!p0 $0xFFF, v8  }
0x7b: {  	[tilespmem:v7+s16+$0x0] =	vst.idx.msk @!p0 vm1, v8  }
0x7c: {  	v7 =	vld [tilespmem:s4+$0x0];
	_ =	sdelay $0x4  }
0x7d: {  	v7 =	vsub.s32 v7, v0  }
0x7e: {  	vm1 =	vlt.u32 v7, $0x200  }
0x7f: {  	v8 =	vsel vm1, $0x1, v3  }
0x80: {  	(xrf0) =	vadd.scan.msk.s32 $0xffff, v8;
	_ =	sdelay $0x5  }
0x81: {  	v8, _, _ =	vpop (xrf0)  }
0x82: {  	(v2sf) =	vpush v8, $0xF;
	_ =	sdelay $0xe  }
0x83: {  	s30 =	spop (v2sf)  }
0x84: {  	p0 =	slt.s32 s30, $0x1  }
0x85: {  	s16 =	sadd.s32 $0x20, s9;
	v8 =	vshll.u32 @!p0 v7, $0xC  }
0x86: {  	v9 =	vlaneseq.u32 @!p0;
	v8 =	vadd.s32 @!p0 s16, v8  }
0x87: {  	vm1 =	vlt.u32 @!p0 v7, $0x200;
	v7 =	vadd.s32 @!p0 v9, v8  }
0x88: {  	v7 =	vnsel @!p0 vm1, $0x7FFFFFFF, v7  }
0x89: {  	v8 =	vxor.u32 @!p0 $0x80000000, v7  }
0x8a: {  	(xrf1) =	vsort.ascd.msk.u32 @!p0 $0xffff, v8, v7;
	_ =	sdelay $0x4  }
0x8b: {  	v7 =	vimm.s32 @!p0 $0xFFEDCBA9;
	v8 =	vimm.s32 @!p0 $0x87654321  }
0x8c: {  	v7 =	vunpack.c.l.s4.s8 @!p0 v7;
	v8 =	vunpack.c.l.s4.s8 @!p0 v8;
	_ =	sdelay $0x1  }
0x8d: {  	v7 =	vunpack.c.0.s8.s32 @!p0 v7;
	v8 =	vunpack.c.0.s8.s32 @!p0 v8;
	_ =	sdelay $0x1  }
0x8e: {  	v7 =	vcombine.low @!p0 v8, v7;
	_ =	sdelay $0x1  }
0x8f: {  	v7 =	vand.u32 @!p0 $0xF, v7;
	_ =	sdelay $0x1  }
0x90: {  	v8, _, _ =	vpop @!p0 (xrf1)  }
0x91: {  	v9 =	vxor.u32 @!p0 $0x80000000, v8  }
0x92: {  	s16 =	simm.s32 @!p0 $0x1200;
	[tilespmem:$0x1200] =	vst @!p0 v9  }
0x93: {  	v7 =	vld.idx.msk @!p0 [tilespmem:v7+s16+$0x0], $0xffff;
	_ =	sdelay $0x4  }
0x94: {  	v9 =	vshra.s32 @!p0 v9, $0xC;
	v7 =	vshra.s32 @!p0 v7, $0xC  }
0x95: {  	vm2 =	vcmask @!p0 $0x3F3C;
	vm1 =	vne.s32 @!p0 v9, v7  }
0x96: {  	vm1 =	vmor @!p0 vm1, vm2;
	vm2 =	vne.s32 @!p0 v8, $0xFFFFFFFF  }
0x97: {  	vm1 =	vmand @!p0 vm2, vm1  }
0x98: {  	v7 =	vnsel @!p0 vm1, $0x0, v9;
	_ =	sdelay $0x3  }
0x99: {  	s16 =	simm.s32 @!p0 $0x1000;
	v8 =	vand.u32 @!p0 $0xFFF, v8  }
0x9a: {  	[tilespmem:v7+s16+$0x0] =	vst.idx.msk @!p0 vm1, v8  }
0x9b: {  	v7 =	vld [tilespmem:s4+$0x10];
	_ =	sdelay $0x4  }
0x9c: {  	v7 =	vsub.s32 v7, v0  }
0x9d: {  	vm1 =	vlt.u32 v7, $0x200  }
0x9e: {  	v8 =	vsel vm1, $0x1, v3  }
0x9f: {  	(xrf0) =	vadd.scan.msk.s32 $0xffff, v8;
	_ =	sdelay $0x5  }
0xa0: {  	v8, _, _ =	vpop (xrf0)  }
0xa1: {  	(v2sf) =	vpush v8, $0xF;
	_ =	sdelay $0xe  }
0xa2: {  	s31 =	spop (v2sf)  }
0xa3: {  	p0 =	slt.s32 s31, $0x1  }
0xa4: {  	s16 =	sadd.s32 $0x30, s9;
	v8 =	vshll.u32 @!p0 v7, $0xC  }
0xa5: {  	v9 =	vlaneseq.u32 @!p0;
	v8 =	vadd.s32 @!p0 s16, v8  }
0xa6: {  	vm1 =	vlt.u32 @!p0 v7, $0x200;
	v7 =	vadd.s32 @!p0 v9, v8  }
0xa7: {  	v7 =	vnsel @!p0 vm1, $0x7FFFFFFF, v7  }
0xa8: {  	v8 =	vxor.u32 @!p0 $0x80000000, v7  }
0xa9: {  	(xrf1) =	vsort.ascd.msk.u32 @!p0 $0xffff, v8, v7;
	_ =	sdelay $0x4  }
0xaa: {  	v7 =	vimm.s32 @!p0 $0xFFEDCBA9;
	v8 =	vimm.s32 @!p0 $0x87654321  }
0xab: {  	v7 =	vunpack.c.l.s4.s8 @!p0 v7;
	v8 =	vunpack.c.l.s4.s8 @!p0 v8;
	_ =	sdelay $0x1  }
0xac: {  	v7 =	vunpack.c.0.s8.s32 @!p0 v7;
	v8 =	vunpack.c.0.s8.s32 @!p0 v8;
	_ =	sdelay $0x1  }
0xad: {  	v7 =	vcombine.low @!p0 v8, v7;
	_ =	sdelay $0x1  }
0xae: {  	v7 =	vand.u32 @!p0 $0xF, v7;
	_ =	sdelay $0x1  }
0xaf: {  	v8, _, _ =	vpop @!p0 (xrf1)  }
0xb0: {  	v9 =	vxor.u32 @!p0 $0x80000000, v8  }
0xb1: {  	s16 =	simm.s32 @!p0 $0x1200;
	[tilespmem:$0x1200] =	vst @!p0 v9  }
0xb2: {  	v7 =	vld.idx.msk @!p0 [tilespmem:v7+s16+$0x0], $0xffff;
	_ =	sdelay $0x4  }
0xb3: {  	v9 =	vshra.s32 @!p0 v9, $0xC;
	v7 =	vshra.s32 @!p0 v7, $0xC  }
0xb4: {  	vm2 =	vcmask @!p0 $0x3F3C;
	vm1 =	vne.s32 @!p0 v9, v7  }
0xb5: {  	vm1 =	vmor @!p0 vm1, vm2;
	vm2 =	vne.s32 @!p0 v8, $0xFFFFFFFF  }
0xb6: {  	s9 =	sadd.s32 $0x40, s9;
	vm1 =	vmand @!p0 vm2, vm1  }
0xb7: {  	p1 =	sne.s32 s9, $0x1000;
	v7 =	vnsel @!p0 vm1, $0x0, v9  }
.Ltmp0:
0xb8: {  	_ = 	snop;
	(pc) =	sbr.rel @p1 .LBB2_2-.Ltmp0, $3  }
0xb9: {  	_ =	sdelay $0x1  }
0xba: {  	s16 =	simm.s32 @!p0 $0x1000;
	v8 =	vand.u32 @!p0 $0xFFF, v8  }
0xbb: {  	s4 =	sadd.s32 $0x40, s4;
	[tilespmem:v7+s16+$0x0] =	vst.idx.msk @!p0 vm1, v8  }
.Ltmp1:
0xbc: {  	(pc) =	sbr.rel .LBB2_4-.Ltmp1, $3  }
0xbd: {  	_ =	sdelay $0x1  }
0xbe: {  	_ =	strace $0x90000048  }
0xbf: {  	s4 =	simm.s32 $0x0;
	s23 =	simm.s32 $0x9280;
	_ =	strace $0x80000049  }
.LBB2_32:
0xc0: {  	s0 =	sadd.s32 s8, s16;
	s23 =	simm.s32 $0x9280;
	s2 =	simm.s32 $0x2  }
0xc1: {  	[hbm4b:s0+s3] =	stream.linear.scatter [tilespmem:s23], [sflag:$0x4], $0x8000, $0x200038;
	[tilespmem:$0x1EA80] =	vst v63  }
0xc2: {  	_ =	swait.ge [sflag:s2], $0x8000  }
0xc3: {  	p0 =	seq.s32 s4, $0x7;
	s0 =	rddreg [dreg:$0xa]  }
0xc4: {  	[sflag:s2] =	ssyncset.done $0x0;
	s0 =	sadd.s32 @!p0 s9, s0  }
0xc5: {  	s4 =	sadd.s32 $0x1, s4;
	[sflag:s2] =	ssyncadd.s32 $0xFFFF8000;
	s0 =	sshll.u32 @!p0 s0, $0x7  }
0xc6: {  	s2 =	simm.s32 @!p0 $0x0;
	s9 =	simm.s32 @!p0 $0x1280;
	s0 =	sadd.s32 @!p0 s5, s0  }
0xc7: {  	[tilespmem:s9], [sflag:$0x1] =	stream.linear.gather @!p0 [hbm4b:s0+s2], $0x8000, $0x200038;
	[tilespmem:$0x1EA80] =	vst v63  }
0xc8: {  	p0 =	sne.s32 s4, $0x8  }
.Ltmp2:
0xc9: {  	_ = 	snop;
	(pc) =	sbr.rel @!p0 .LBB2_33-.Ltmp2, $4  }
0xca: {  	_ = 	snop  }
0xcb: {  	_ =	swait.ge [sflag:s11], $0x8000  }
0xcc: {  	[sflag:s11] =	ssyncset.done $0x0  }
0xcd: {  	s22 =	smov.u32 s5;
	[sflag:s11] =	ssyncadd.s32 $0xFFFF8000  }
.LBB2_4:
0xce: {  	s9 =	sshll.u32 s4, $0x6  }
0xcf: {  	s0 =	smov.u32 s22;
	s22 =	sor.u32 $0x20, s9  }
0xd0: {  	s16 =	sor.u32 s10, s22  }
0xd1: {  	s16 =	sshll.u32 s16, $0x7  }
0xd2: {  	s30 =	simm.s32 $0x1;
	s24 =	sadd.s32 s0, s16  }
0xd3: {  	[tilespmem:s23], [sflag:$0x3] =	stream.linear.gather [hbm4b:s24+s3], $0x8000, $0x200038;
	[tilespmem:$0x1EA80] =	vst v63  }
0xd4: {  	_ =	swait.ge [sflag:s30], $0x8000  }
0xd5: {  	[sflag:s30] =	ssyncset.done $0x0  }
0xd6: {  	[sflag:s30] =	ssyncadd.s32 $0xFFFF8000  }
0xd7: {  	v8 =	vld [tilespmem:s9+$0x1000];
	_ =	sdelay $0x4  }
0xd8: {  	vm1 =	vgt.s32 v8, $0xFFFFFFFF  }
0xd9: {  	v7 =	vsel vm1, $0x1, v3  }
0xda: {  	(xrf0) =	vadd.scan.msk.s32 $0xffff, v7;
	_ =	sdelay $0x5  }
0xdb: {  	v9, _, _ =	vpop (xrf0)  }
0xdc: {  	(v2sf) =	vpush v9, $0xF;
	_ =	sdelay $0xe  }
0xdd: {  	s31 =	spop (v2sf)  }
0xde: {  	p0 =	slt.s32 s31, $0x1  }
.Ltmp3:
0xdf: {  	_ = 	snop;
	(pc) =	sbr.rel @p0 .LBB2_11-.Ltmp3, $2  }
0xe0: {  	_ =	sdelay $0x2  }
0xe1: {  	s5 =	smov.u32 s0  }
0xe2: {  	v9 =	vor.u32 s9, v2  }
0xe3: {  	v8 =	vsel vm1, v8, v9  }
0xe4: {  	v9 =	vshll.u32 v8, $0x3  }
0xe5: {  	v8 =	vand.u32 $0x7, v8;
	v9 =	vand.u32 $0xFFFFFFC0, v9  }
0xe6: {  	v8 =	vor.u32 v8, v9  }
0xe7: {  	v9 =	vperm.xlane v8, v4;
	_ =	sdelay $0x1  }
0xe8: {  	v9 =	vadd.s32 v5, v9;
	_ =	sdelay $0x3  }
0xe9: {  	s24 =	simm.s32 $0x0;
	s0 =	simm.s32 $0x11280  }
0xea: {  	[tilespmem:s0], [sflag:$0x5] =	stream.indirect_vreg.gather [hbm4b:s7+s24], $0x80, v9, vm0, $0x2000b8;
	[tilespmem:$0x1EA80] =	vst v63  }
0xeb: {  	s23 =	simm.s32 $0x11A80;
	v8 =	vperm.xlane v8, v6  }
0xec: {  	[tilespmem:s23], [sflag:$0x5] =	stream.indirect_vreg.gather [hbm4b:s13+s24], $0x80, v9, vm0, $0x2000b8;
	[tilespmem:$0x1EA80] =	vst v63  }
0xed: {  	s25 =	simm.s32 $0x12280;
	v8 =	vadd.s32 v5, v8  }
0xee: {  	[tilespmem:s25], [sflag:$0x5] =	stream.indirect_vreg.gather [hbm4b:s14+s24], $0x80, v9, vm0, $0x2000b8;
	[tilespmem:$0x1EA80] =	vst v63  }
0xef: {  	s26 =	simm.s32 $0x12A80  }
0xf0: {  	[tilespmem:s26], [sflag:$0x5] =	stream.indirect_vreg.gather [hbm4b:s15+s24], $0x80, v9, vm0, $0x2000b8;
	[tilespmem:$0x1EA80] =	vst v63  }
0xf1: {  	s28 =	simm.s32 $0x13280  }
0xf2: {  	[tilespmem:s28], [sflag:$0x5] =	stream.indirect_vreg.gather [hbm4b:s7+s24], $0x80, v8, vm0, $0x2000b8;
	[tilespmem:$0x1EA80] =	vst v63  }
0xf3: {  	s29 =	simm.s32 $0x13A80  }
0xf4: {  	[tilespmem:s29], [sflag:$0x5] =	stream.indirect_vreg.gather [hbm4b:s13+s24], $0x80, v8, vm0, $0x2000b8;
	[tilespmem:$0x1EA80] =	vst v63  }
0xf5: {  	s30 =	simm.s32 $0x14280  }
0xf6: {  	[tilespmem:s30], [sflag:$0x5] =	stream.indirect_vreg.gather [hbm4b:s14+s24], $0x80, v8, vm0, $0x2000b8;
	[tilespmem:$0x1EA80] =	vst v63  }
.Ltmp4:
0xf7: {  	s31 =	simm.s32 $0x14A80;
	(pc) =	sbr.rel .LBB2_6-.Ltmp4, $4  }
0xf8: {  	[tilespmem:s31], [sflag:$0x5] =	stream.indirect_vreg.gather [hbm4b:s15+s24], $0x80, v8, vm0, $0x2000b8;
	[tilespmem:$0x1EA80] =	vst v63  }
0xf9: {  	_ =	swait.ge [sflag:s6], $0x4000  }
0xfa: {  	[sflag:s6] =	ssyncset.done $0x0  }
0xfb: {  	[sflag:s6] =	ssyncadd.s32 $0xFFFFC000  }
.LBB2_10:
0xfc: {  	s24 =	sadd.s32 $0x1, s24  }
0xfd: {  	p0 =	sne.s32 s24, $0x10  }
.Ltmp5:
0xfe: {  	_ = 	snop;
	(pc) =	sbr.rel @!p0 .LBB2_11-.Ltmp5, $1  }
0xff: {  	_ =	sdelay $0x3  }
.LBB2_6:
0x100: {  	v8 =	vmov s24  }
0x101: {  	vm1 =	veq.s32 v8, v2  }
0x102: {  	v8 =	vnsel vm1, $0x0, v7  }
0x103: {  	(xrf0) =	vadd.scan.msk.s32 $0xffff, v8;
	_ =	sdelay $0x5  }
0x104: {  	v8, _, _ =	vpop (xrf0)  }
0x105: {  	(v2sf) =	vpush v8, $0xF;
	_ =	sdelay $0xe  }
0x106: {  	s25 =	spop (v2sf)  }
0x107: {  	p0 =	slt.s32 s25, $0x1  }
.Ltmp6:
0x108: {  	_ = 	snop;
	(pc) =	sbr.rel @p0 .LBB2_10-.Ltmp6, $1  }
0x109: {  	_ =	sdelay $0x3  }
0x10a: {  	s25 =	sshll.u32 s24, $0xA;
	s26 =	sshll.u32 s24, $0x7  }
0x10b: {  	s28 =	simm.s32 $0x0;
	s25 =	sand.u32 $0x2000, s25;
	s26 =	sand.u32 $0x380, s26  }
0x10c: {  	s31 =	sand.u32 $0x1C00, s28;
	s25 =	sor.u32 s25, s26  }
0x10d: {  	s28 =	sand.u32 $0x70, s28;
	s26 =	sor.u32 s31, s25  }
0x10e: {  	s26 =	sor.u32 s28, s26  }
0x10f: {  	v8 =	vld [tilespmem:s26+$0x11280]  }
0x110: {  	s29 =	simm.s32 $0x80;
	s28 =	simm.s32 $0x10  }
.LBB2_8:
0x111: {  	s30 =	sand.u32 $0x1C00, s29  }
0x112: {  	p0 =	sne.s32 s28, $0x3F0;
	s31 =	smov.u32 s28;
	s28 =	sadd.s32 $0x10, s28  }
.Ltmp7:
0x113: {  	s31 =	sand.u32 $0x70, s31;
	s30 =	sor.u32 s30, s25;
	(pc) =	sbr.rel @p0 .LBB2_8-.Ltmp7, $3  }
0x114: {  	[tilespmem:s26+$0x1280] =	vst v8;
	s26 =	sor.u32 s31, s30  }
0x115: {  	v8 =	vld [tilespmem:s26+$0x11280];
	_ =	sdelay $0x1  }
0x116: {  	s29 =	sadd.s32 $0x80, s29  }
.Ltmp8:
0x117: {  	(pc) =	sbr.rel .LBB2_10-.Ltmp8, $2  }
0x118: {  	_ =	sdelay $0x2  }
0x119: {  	[tilespmem:s26+$0x1280] =	vst v8  }
.LBB2_11:
0x11a: {  	v8 =	vld [tilespmem:s9+$0x1010];
	_ =	sdelay $0x4  }
0x11b: {  	vm1 =	vgt.s32 v8, $0xFFFFFFFF  }
0x11c: {  	v7 =	vsel vm1, $0x1, v3  }
0x11d: {  	(xrf0) =	vadd.scan.msk.s32 $0xffff, v7;
	_ =	sdelay $0x5  }
0x11e: {  	v9, _, _ =	vpop (xrf0)  }
0x11f: {  	(v2sf) =	vpush v9, $0xF;
	_ =	sdelay $0xe  }
0x120: {  	s24 =	spop (v2sf)  }
0x121: {  	p0 =	slt.s32 s24, $0x1  }
.Ltmp9:
0x122: {  	_ = 	snop;
	(pc) =	sbr.rel @p0 .LBB2_18-.Ltmp9, $1  }
0x123: {  	_ =	sdelay $0x3  }
0x124: {  	s24 =	sor.u32 $0x10, s9  }
0x125: {  	v9 =	vor.u32 s24, v2  }
0x126: {  	v8 =	vsel vm1, v8, v9  }
0x127: {  	v9 =	vshll.u32 v8, $0x3  }
0x128: {  	v8 =	vand.u32 $0x7, v8;
	v9 =	vand.u32 $0xFFFFFFC0, v9  }
0x129: {  	v8 =	vor.u32 v8, v9  }
0x12a: {  	v9 =	vperm.xlane v8, v4;
	_ =	sdelay $0x1  }
0x12b: {  	v9 =	vadd.s32 v5, v9;
	_ =	sdelay $0x3  }
0x12c: {  	s0 =	simm.s32 $0x11280;
	s24 =	simm.s32 $0x0  }
0x12d: {  	[tilespmem:s0], [sflag:$0x5] =	stream.indirect_vreg.gather [hbm4b:s7+s24], $0x80, v9, vm0, $0x2000b8;
	[tilespmem:$0x1EA80] =	vst v63  }
0x12e: {  	s23 =	simm.s32 $0x11A80;
	v8 =	vperm.xlane v8, v6  }
0x12f: {  	[tilespmem:s23], [sflag:$0x5] =	stream.indirect_vreg.gather [hbm4b:s13+s24], $0x80, v9, vm0, $0x2000b8;
	[tilespmem:$0x1EA80] =	vst v63  }
0x130: {  	s25 =	simm.s32 $0x12280;
	v8 =	vadd.s32 v5, v8  }
0x131: {  	[tilespmem:s25], [sflag:$0x5] =	stream.indirect_vreg.gather [hbm4b:s14+s24], $0x80, v9, vm0, $0x2000b8;
	[tilespmem:$0x1EA80] =	vst v63  }
0x132: {  	s26 =	simm.s32 $0x12A80  }
0x133: {  	[tilespmem:s26], [sflag:$0x5] =	stream.indirect_vreg.gather [hbm4b:s15+s24], $0x80, v9, vm0, $0x2000b8;
	[tilespmem:$0x1EA80] =	vst v63  }
0x134: {  	s28 =	simm.s32 $0x13280  }
0x135: {  	[tilespmem:s28], [sflag:$0x5] =	stream.indirect_vreg.gather [hbm4b:s7+s24], $0x80, v8, vm0, $0x2000b8;
	[tilespmem:$0x1EA80] =	vst v63  }
0x136: {  	s29 =	simm.s32 $0x13A80  }
0x137: {  	[tilespmem:s29], [sflag:$0x5] =	stream.indirect_vreg.gather [hbm4b:s13+s24], $0x80, v8, vm0, $0x2000b8;
	[tilespmem:$0x1EA80] =	vst v63  }
0x138: {  	s30 =	simm.s32 $0x14280  }
0x139: {  	[tilespmem:s30], [sflag:$0x5] =	stream.indirect_vreg.gather [hbm4b:s14+s24], $0x80, v8, vm0, $0x2000b8;
	[tilespmem:$0x1EA80] =	vst v63  }
.Ltmp10:
0x13a: {  	s31 =	simm.s32 $0x14A80;
	(pc) =	sbr.rel .LBB2_13-.Ltmp10, $4  }
0x13b: {  	[tilespmem:s31], [sflag:$0x5] =	stream.indirect_vreg.gather [hbm4b:s15+s24], $0x80, v8, vm0, $0x2000b8;
	[tilespmem:$0x1EA80] =	vst v63  }
0x13c: {  	_ =	swait.ge [sflag:s6], $0x4000  }
0x13d: {  	[sflag:s6] =	ssyncset.done $0x0  }
0x13e: {  	[sflag:s6] =	ssyncadd.s32 $0xFFFFC000  }
.LBB2_17:
0x13f: {  	s24 =	sadd.s32 $0x1, s24  }
0x140: {  	p0 =	sne.s32 s24, $0x10  }
.Ltmp11:
0x141: {  	_ = 	snop;
	(pc) =	sbr.rel @!p0 .LBB2_18-.Ltmp11, $1  }
0x142: {  	_ =	sdelay $0x3  }
.LBB2_13:
0x143: {  	v8 =	vmov s24  }
0x144: {  	vm1 =	veq.s32 v8, v2  }
0x145: {  	v8 =	vnsel vm1, $0x0, v7  }
0x146: {  	(xrf0) =	vadd.scan.msk.s32 $0xffff, v8;
	_ =	sdelay $0x5  }
0x147: {  	v8, _, _ =	vpop (xrf0)  }
0x148: {  	(v2sf) =	vpush v8, $0xF;
	_ =	sdelay $0xe  }
0x149: {  	s25 =	spop (v2sf)  }
0x14a: {  	p0 =	slt.s32 s25, $0x1  }
.Ltmp12:
0x14b: {  	_ = 	snop;
	(pc) =	sbr.rel @p0 .LBB2_17-.Ltmp12, $1  }
0x14c: {  	_ =	sdelay $0x3  }
0x14d: {  	s25 =	sshll.u32 s24, $0xA;
	s26 =	sshll.u32 s24, $0x7  }
0x14e: {  	s25 =	sand.u32 $0x2000, s25;
	s26 =	sand.u32 $0x380, s26  }
0x14f: {  	s23 =	simm.s32 $0x0;
	s28 =	sor.u32 s26, s25  }
0x150: {  	s30 =	sand.u32 $0x1C00, s23;
	s25 =	sadd.s32 $0x11280, s28  }
0x151: {  	s26 =	sand.u32 $0x70, s23;
	s29 =	sadd.s32 s30, s25  }
0x152: {  	s31 =	sadd.s32 s26, s29  }
0x153: {  	v8 =	vld [tilespmem:s31+$0x0]  }
0x154: {  	s28 =	sadd.s32 $0x5280, s28;
	s29 =	simm.s32 $0x10;
	s31 =	simm.s32 $0x80  }
.LBB2_15:
0x155: {  	s0 =	sand.u32 $0x1C00, s31;
	s23 =	smov.u32 s29;
	p0 =	sne.s32 s29, $0x3F0  }
.Ltmp13:
0x156: {  	s29 =	sadd.s32 $0x10, s29;
	s30 =	sadd.s32 s30, s28;
	(pc) =	sbr.rel @p0 .LBB2_15-.Ltmp13, $4  }
0x157: {  	s2 =	sadd.s32 s0, s25;
	s30 =	sadd.s32 s26, s30;
	s26 =	sand.u32 $0x70, s23  }
0x158: {  	s2 =	sadd.s32 s26, s2;
	[tilespmem:s30+$0x0] =	vst v8;
	s30 =	smov.u32 s0  }
0x159: {  	v8 =	vld [tilespmem:s2+$0x0]  }
0x15a: {  	s31 =	sadd.s32 $0x80, s31  }
.Ltmp14:
0x15b: {  	(pc) =	sbr.rel .LBB2_17-.Ltmp14, $4  }
0x15c: {  	_ = 	snop  }
0x15d: {  	s0 =	sadd.s32 s30, s28  }
0x15e: {  	s0 =	sadd.s32 s26, s0  }
0x15f: {  	[tilespmem:s0+$0x0] =	vst v8  }
.LBB2_18:
0x160: {  	s0 =	sadd.s32 s10, s9  }
0x161: {  	s0 =	sshll.u32 s0, $0x7  }
0x162: {  	s2 =	simm.s32 $0x1280;
	s30 =	simm.s32 $0x3;
	s0 =	sadd.s32 s8, s0  }
0x163: {  	[hbm4b:s0+s3] =	stream.linear.scatter [tilespmem:s2], [sflag:$0x2], $0x8000, $0x200038;
	[tilespmem:$0x1EA80] =	vst v63  }
0x164: {  	_ =	swait.ge [sflag:s30], $0x8000  }
0x165: {  	[sflag:s30] =	ssyncset.done $0x0  }
0x166: {  	[sflag:s30] =	ssyncadd.s32 $0xFFFF8000  }
0x167: {  	v8 =	vld [tilespmem:s22+$0x1000];
	_ =	sdelay $0x4  }
0x168: {  	vm1 =	vgt.s32 v8, $0xFFFFFFFF  }
0x169: {  	v7 =	vsel vm1, $0x1, v3  }
0x16a: {  	(xrf0) =	vadd.scan.msk.s32 $0xffff, v7;
	_ =	sdelay $0x5  }
0x16b: {  	v9, _, _ =	vpop (xrf0)  }
0x16c: {  	(v2sf) =	vpush v9, $0xF;
	_ =	sdelay $0xe  }
0x16d: {  	s31 =	spop (v2sf)  }
0x16e: {  	p0 =	slt.s32 s31, $0x1  }
.Ltmp15:
0x16f: {  	_ = 	snop;
	(pc) =	sbr.rel @p0 .LBB2_25-.Ltmp15, $1  }
0x170: {  	_ =	sdelay $0x3  }
0x171: {  	v9 =	vor.u32 s22, v2  }
0x172: {  	v8 =	vsel vm1, v8, v9  }
0x173: {  	v9 =	vshll.u32 v8, $0x3  }
0x174: {  	v8 =	vand.u32 $0x7, v8;
	v9 =	vand.u32 $0xFFFFFFC0, v9  }
0x175: {  	v8 =	vor.u32 v8, v9  }
0x176: {  	v9 =	vperm.xlane v8, v4;
	_ =	sdelay $0x1  }
0x177: {  	v9 =	vadd.s32 v5, v9;
	_ =	sdelay $0x3  }
0x178: {  	s22 =	simm.s32 $0x0;
	s0 =	simm.s32 $0x11280  }
0x179: {  	[tilespmem:s0], [sflag:$0x5] =	stream.indirect_vreg.gather [hbm4b:s7+s22], $0x80, v9, vm0, $0x2000b8;
	[tilespmem:$0x1EA80] =	vst v63  }
0x17a: {  	s24 =	simm.s32 $0x11A80;
	v8 =	vperm.xlane v8, v6  }
0x17b: {  	[tilespmem:s24], [sflag:$0x5] =	stream.indirect_vreg.gather [hbm4b:s13+s22], $0x80, v9, vm0, $0x2000b8;
	[tilespmem:$0x1EA80] =	vst v63  }
0x17c: {  	s25 =	simm.s32 $0x12280;
	v8 =	vadd.s32 v5, v8  }
0x17d: {  	[tilespmem:s25], [sflag:$0x5] =	stream.indirect_vreg.gather [hbm4b:s14+s22], $0x80, v9, vm0, $0x2000b8;
	[tilespmem:$0x1EA80] =	vst v63  }
0x17e: {  	s26 =	simm.s32 $0x12A80  }
0x17f: {  	[tilespmem:s26], [sflag:$0x5] =	stream.indirect_vreg.gather [hbm4b:s15+s22], $0x80, v9, vm0, $0x2000b8;
	[tilespmem:$0x1EA80] =	vst v63  }
0x180: {  	s28 =	simm.s32 $0x13280  }
0x181: {  	[tilespmem:s28], [sflag:$0x5] =	stream.indirect_vreg.gather [hbm4b:s7+s22], $0x80, v8, vm0, $0x2000b8;
	[tilespmem:$0x1EA80] =	vst v63  }
0x182: {  	s29 =	simm.s32 $0x13A80  }
0x183: {  	[tilespmem:s29], [sflag:$0x5] =	stream.indirect_vreg.gather [hbm4b:s13+s22], $0x80, v8, vm0, $0x2000b8;
	[tilespmem:$0x1EA80] =	vst v63  }
0x184: {  	s30 =	simm.s32 $0x14280  }
0x185: {  	[tilespmem:s30], [sflag:$0x5] =	stream.indirect_vreg.gather [hbm4b:s14+s22], $0x80, v8, vm0, $0x2000b8;
	[tilespmem:$0x1EA80] =	vst v63  }
.Ltmp16:
0x186: {  	s31 =	simm.s32 $0x14A80;
	(pc) =	sbr.rel .LBB2_20-.Ltmp16, $4  }
0x187: {  	[tilespmem:s31], [sflag:$0x5] =	stream.indirect_vreg.gather [hbm4b:s15+s22], $0x80, v8, vm0, $0x2000b8;
	[tilespmem:$0x1EA80] =	vst v63  }
0x188: {  	_ =	swait.ge [sflag:s6], $0x4000  }
0x189: {  	[sflag:s6] =	ssyncset.done $0x0  }
0x18a: {  	[sflag:s6] =	ssyncadd.s32 $0xFFFFC000  }
.LBB2_24:
0x18b: {  	s22 =	sadd.s32 $0x1, s22  }
0x18c: {  	p0 =	sne.s32 s22, $0x10  }
.Ltmp17:
0x18d: {  	_ = 	snop;
	(pc) =	sbr.rel @!p0 .LBB2_25-.Ltmp17, $1  }
0x18e: {  	_ =	sdelay $0x3  }
.LBB2_20:
0x18f: {  	v8 =	vmov s22  }
0x190: {  	vm1 =	veq.s32 v8, v2  }
0x191: {  	v8 =	vnsel vm1, $0x0, v7  }
0x192: {  	(xrf0) =	vadd.scan.msk.s32 $0xffff, v8;
	_ =	sdelay $0x5  }
0x193: {  	v8, _, _ =	vpop (xrf0)  }
0x194: {  	(v2sf) =	vpush v8, $0xF;
	_ =	sdelay $0xe  }
0x195: {  	s0 =	spop (v2sf)  }
0x196: {  	p0 =	slt.s32 s0, $0x1  }
.Ltmp18:
0x197: {  	_ = 	snop;
	(pc) =	sbr.rel @p0 .LBB2_24-.Ltmp18, $1  }
0x198: {  	_ =	sdelay $0x3  }
0x199: {  	s0 =	sshll.u32 s22, $0xA;
	s2 =	sshll.u32 s22, $0x7  }
0x19a: {  	s23 =	simm.s32 $0x0;
	s0 =	sand.u32 $0x2000, s0;
	s2 =	sand.u32 $0x380, s2  }
0x19b: {  	s30 =	sand.u32 $0x1C00, s23;
	s24 =	sor.u32 s0, s2  }
0x19c: {  	s31 =	sand.u32 $0x70, s23;
	s0 =	sor.u32 s30, s24  }
0x19d: {  	s25 =	sor.u32 s31, s0  }
0x19e: {  	v8 =	vld [tilespmem:s25+$0x11280]  }
0x19f: {  	s26 =	simm.s32 $0x10;
	s28 =	simm.s32 $0x80  }
.LBB2_22:
0x1a0: {  	s0 =	sand.u32 $0x1C00, s28  }
0x1a1: {  	p0 =	sne.s32 s26, $0x3F0;
	s2 =	smov.u32 s26;
	s26 =	sadd.s32 $0x10, s26  }
.Ltmp19:
0x1a2: {  	s2 =	sand.u32 $0x70, s2;
	s0 =	sor.u32 s0, s24;
	(pc) =	sbr.rel @p0 .LBB2_22-.Ltmp19, $3  }
0x1a3: {  	[tilespmem:s25+$0x9280] =	vst v8;
	s25 =	sor.u32 s2, s0  }
0x1a4: {  	v8 =	vld [tilespmem:s25+$0x11280];
	_ =	sdelay $0x1  }
0x1a5: {  	s28 =	sadd.s32 $0x80, s28  }
.Ltmp20:
0x1a6: {  	(pc) =	sbr.rel .LBB2_24-.Ltmp20, $2  }
0x1a7: {  	_ =	sdelay $0x2  }
0x1a8: {  	[tilespmem:s25+$0x9280] =	vst v8  }
.LBB2_25:
0x1a9: {  	v8 =	vld [tilespmem:s9+$0x1030];
	_ =	sdelay $0x4  }
0x1aa: {  	vm1 =	vgt.s32 v8, $0xFFFFFFFF  }
0x1ab: {  	v7 =	vsel vm1, $0x1, v3  }
0x1ac: {  	(xrf0) =	vadd.scan.msk.s32 $0xffff, v7;
	_ =	sdelay $0x5  }
0x1ad: {  	v9, _, _ =	vpop (xrf0)  }
0x1ae: {  	(v2sf) =	vpush v9, $0xF;
	_ =	sdelay $0xe  }
0x1af: {  	s0 =	spop (v2sf)  }
0x1b0: {  	p0 =	slt.s32 s0, $0x1  }
.Ltmp21:
0x1b1: {  	_ = 	snop;
	(pc) =	sbr.rel @p0 .LBB2_32-.Ltmp21, $1  }
0x1b2: {  	_ =	sdelay $0x3  }
0x1b3: {  	s0 =	sor.u32 $0x30, s9  }
0x1b4: {  	v9 =	vor.u32 s0, v2  }
0x1b5: {  	v8 =	vsel vm1, v8, v9  }
0x1b6: {  	v9 =	vshll.u32 v8, $0x3  }
0x1b7: {  	v8 =	vand.u32 $0x7, v8;
	v9 =	vand.u32 $0xFFFFFFC0, v9  }
0x1b8: {  	v8 =	vor.u32 v8, v9  }
0x1b9: {  	v9 =	vperm.xlane v8, v4;
	_ =	sdelay $0x1  }
0x1ba: {  	v9 =	vadd.s32 v5, v9;
	_ =	sdelay $0x3  }
0x1bb: {  	s22 =	simm.s32 $0x0;
	s23 =	simm.s32 $0x11280  }
0x1bc: {  	[tilespmem:s23], [sflag:$0x5] =	stream.indirect_vreg.gather [hbm4b:s7+s22], $0x80, v9, vm0, $0x2000b8;
	[tilespmem:$0x1EA80] =	vst v63  }
0x1bd: {  	s24 =	simm.s32 $0x11A80;
	v8 =	vperm.xlane v8, v6  }
0x1be: {  	[tilespmem:s24], [sflag:$0x5] =	stream.indirect_vreg.gather [hbm4b:s13+s22], $0x80, v9, vm0, $0x2000b8;
	[tilespmem:$0x1EA80] =	vst v63  }
0x1bf: {  	s25 =	simm.s32 $0x12280;
	v8 =	vadd.s32 v5, v8  }
0x1c0: {  	[tilespmem:s25], [sflag:$0x5] =	stream.indirect_vreg.gather [hbm4b:s14+s22], $0x80, v9, vm0, $0x2000b8;
	[tilespmem:$0x1EA80] =	vst v63  }
0x1c1: {  	s26 =	simm.s32 $0x12A80  }
0x1c2: {  	[tilespmem:s26], [sflag:$0x5] =	stream.indirect_vreg.gather [hbm4b:s15+s22], $0x80, v9, vm0, $0x2000b8;
	[tilespmem:$0x1EA80] =	vst v63  }
0x1c3: {  	s28 =	simm.s32 $0x13280  }
0x1c4: {  	[tilespmem:s28], [sflag:$0x5] =	stream.indirect_vreg.gather [hbm4b:s7+s22], $0x80, v8, vm0, $0x2000b8;
	[tilespmem:$0x1EA80] =	vst v63  }
0x1c5: {  	s29 =	simm.s32 $0x13A80  }
0x1c6: {  	[tilespmem:s29], [sflag:$0x5] =	stream.indirect_vreg.gather [hbm4b:s13+s22], $0x80, v8, vm0, $0x2000b8;
	[tilespmem:$0x1EA80] =	vst v63  }
0x1c7: {  	s30 =	simm.s32 $0x14280  }
0x1c8: {  	[tilespmem:s30], [sflag:$0x5] =	stream.indirect_vreg.gather [hbm4b:s14+s22], $0x80, v8, vm0, $0x2000b8;
	[tilespmem:$0x1EA80] =	vst v63  }
.Ltmp22:
0x1c9: {  	s31 =	simm.s32 $0x14A80;
	(pc) =	sbr.rel .LBB2_27-.Ltmp22, $4  }
0x1ca: {  	[tilespmem:s31], [sflag:$0x5] =	stream.indirect_vreg.gather [hbm4b:s15+s22], $0x80, v8, vm0, $0x2000b8;
	[tilespmem:$0x1EA80] =	vst v63  }
0x1cb: {  	_ =	swait.ge [sflag:s6], $0x4000  }
0x1cc: {  	[sflag:s6] =	ssyncset.done $0x0  }
0x1cd: {  	[sflag:s6] =	ssyncadd.s32 $0xFFFFC000  }
.LBB2_31:
0x1ce: {  	s22 =	sadd.s32 $0x1, s22  }
0x1cf: {  	p0 =	sne.s32 s22, $0x10  }
.Ltmp23:
0x1d0: {  	_ = 	snop;
	(pc) =	sbr.rel @!p0 .LBB2_32-.Ltmp23, $1  }
0x1d1: {  	_ =	sdelay $0x3  }
.LBB2_27:
0x1d2: {  	v8 =	vmov s22  }
0x1d3: {  	vm1 =	veq.s32 v8, v2  }
0x1d4: {  	v8 =	vnsel vm1, $0x0, v7  }
0x1d5: {  	(xrf0) =	vadd.scan.msk.s32 $0xffff, v8;
	_ =	sdelay $0x5  }
0x1d6: {  	v8, _, _ =	vpop (xrf0)  }
0x1d7: {  	(v2sf) =	vpush v8, $0xF;
	_ =	sdelay $0xe  }
0x1d8: {  	s0 =	spop (v2sf)  }
0x1d9: {  	p0 =	slt.s32 s0, $0x1  }
.Ltmp24:
0x1da: {  	_ = 	snop;
	(pc) =	sbr.rel @p0 .LBB2_31-.Ltmp24, $1  }
0x1db: {  	_ =	sdelay $0x3  }
0x1dc: {  	s0 =	sshll.u32 s22, $0xA;
	s2 =	sshll.u32 s22, $0x7  }
0x1dd: {  	s0 =	sand.u32 $0x2000, s0;
	s2 =	sand.u32 $0x380, s2  }
0x1de: {  	s26 =	simm.s32 $0x0;
	s0 =	sor.u32 s2, s0  }
0x1df: {  	s29 =	sand.u32 $0x1C00, s26;
	s24 =	sadd.s32 $0x11280, s0  }
0x1e0: {  	s25 =	sand.u32 $0x70, s26;
	s31 =	sadd.s32 s29, s24  }
0x1e1: {  	s2 =	sadd.s32 s25, s31  }
0x1e2: {  	v8 =	vld [tilespmem:s2+$0x0]  }
0x1e3: {  	s28 =	simm.s32 $0x10;
	s30 =	simm.s32 $0x80;
	s26 =	sadd.s32 $0xD280, s0  }
.LBB2_29:
0x1e4: {  	s0 =	sand.u32 $0x1C00, s30;
	s2 =	smov.u32 s28;
	p0 =	sne.s32 s28, $0x3F0  }
.Ltmp25:
0x1e5: {  	s28 =	sadd.s32 $0x10, s28;
	s23 =	sadd.s32 s29, s26;
	(pc) =	sbr.rel @p0 .LBB2_29-.Ltmp25, $4  }
0x1e6: {  	s29 =	sadd.s32 s0, s24;
	s23 =	sadd.s32 s25, s23;
	s25 =	sand.u32 $0x70, s2  }
0x1e7: {  	s2 =	sadd.s32 s25, s29;
	s29 =	smov.u32 s0;
	[tilespmem:s23+$0x0] =	vst v8  }
0x1e8: {  	v8 =	vld [tilespmem:s2+$0x0]  }
0x1e9: {  	s30 =	sadd.s32 $0x80, s30  }
.Ltmp26:
0x1ea: {  	(pc) =	sbr.rel .LBB2_31-.Ltmp26, $4  }
0x1eb: {  	_ = 	snop  }
0x1ec: {  	s0 =	sadd.s32 s29, s26  }
0x1ed: {  	s0 =	sadd.s32 s25, s0  }
0x1ee: {  	[tilespmem:s0+$0x0] =	vst v8  }
.LBB2_33:
0x1ef: {  	_ =	strace $0x90000049;
	s0 =	simm.s32 $0x0;
	s2 =	simm.s32 $0x6  }
0x1f0: {  	v7 =	vmul.u32 $0x2, v2;
	_ =	swait.ge [sflag:s2], $0x400;
	v8 =	vmov s0  }
0x1f1: {  	[sflag:s2] =	ssyncset.done $0x0;
	v8 =	vshll.u32 v8, $0x1  }
0x1f2: {  	[sflag:s2] =	ssyncadd.s32 $0xFFFFFC00;
	v8 =	vor.u32 v7, v8  }
0x1f3: {  	_ =	swait.ge [sflag:s17], $0x1000  }
0x1f4: {  	[sflag:s17] =	ssyncset.done $0x0  }
0x1f5: {  	v9 =	vor.u32 $0x1, v8;
	[sflag:s17] =	ssyncadd.s32 $0xFFFFF000  }
0x1f6: {  	_ =	strace $0x8000004A  }
0x1f7: {  	v8 =	vld.idx.msk [tilespmem:v8+s18+$0x0], $0xffff;
	_ =	sdelay $0x2  }
0x1f8: {  	v9 =	vld.idx.msk [tilespmem:v9+s18+$0x0], $0xffff;
	_ =	sdelay $0x1  }
0x1f9: {  	v8 =	vshll.u32 v8, $0x4  }
0x1fa: {  	v8 =	vadd.s32 $0xFFFFFFFF, v8  }
0x1fb: {  	v10 =	vshll.u32 v8, $0x1  }
0x1fc: {  	v11 =	vshra.s32 v9, $0x1;
	v10 =	vand.u32 $0xFFFFFFC0, v10  }
0x1fd: {  	v10 =	vadd.s32 v11, v10;
	_ =	sdelay $0x4  }
0x1fe: {  	v10 =	vld.idx.msk [tilespmem:v10+s19+$0x0], $0xffff  }
0x1ff: {  	s30 =	simm.s32 $0x10  }
0x200: {  	v11 =	vmov s30  }
0x201: {  	v11 =	vshll.u32 v11, $0x1  }
0x202: {  	v8 =	vshrl.u32 v8, $0x2;
	v11 =	vor.u32 v7, v11  }
0x203: {  	v9 =	vshll.u32 v9, $0x4;
	v8 =	vand.u32 $0x7, v8;
	v10 =	vshll.u32 v10, $0x3  }
0x204: {  	s9 =	simm.s32 $0x16680;
	v9 =	vand.u32 $0x10, v9;
	v8 =	vor.u32 v10, v8  }
0x205: {  	s4 =	simm.s32 $0x16880;
	v10 =	vor.u32 $0x1, v11;
	[tilespmem:s9+$0x0] =	vst v8;
	v8 =	vor.u32 $0x60, v9  }
0x206: {  	[tilespmem:s4+$0x0] =	vst v8  }
0x207: {  	v9 =	vld.idx.msk [tilespmem:v11+s18+$0x0], $0xffff;
	_ =	sdelay $0x2  }
0x208: {  	v8 =	vld.idx.msk [tilespmem:v10+s18+$0x0], $0xffff;
	_ =	sdelay $0x1  }
0x209: {  	v9 =	vshll.u32 v9, $0x4  }
0x20a: {  	v9 =	vadd.s32 $0xFFFFFFFF, v9  }
0x20b: {  	v10 =	vshll.u32 v9, $0x1  }
0x20c: {  	v11 =	vshra.s32 v8, $0x1;
	v10 =	vand.u32 $0xFFFFFFC0, v10  }
0x20d: {  	v10 =	vadd.s32 v11, v10;
	_ =	sdelay $0x4  }
0x20e: {  	v10 =	vld.idx.msk [tilespmem:v10+s19+$0x0], $0xffff  }
0x20f: {  	s31 =	simm.s32 $0x20  }
0x210: {  	v11 =	vmov s31  }
0x211: {  	s16 =	simm.s32 $0x30;
	s23 =	simm.s32 $0x80;
	v11 =	vshll.u32 v11, $0x1  }
.LBB2_34:
0x212: {  	p0 =	sne.s32 s16, $0x1F0;
	v11 =	vor.u32 v7, v11;
	v9 =	vshrl.u32 v9, $0x2  }
0x213: {  	v10 =	vshll.u32 v10, $0x3;
	v8 =	vshll.u32 v8, $0x4;
	v9 =	vand.u32 $0x7, v9  }
0x214: {  	s9 =	sadd.s32 $0x10, s9;
	v8 =	vand.u32 $0x10, v8;
	v9 =	vor.u32 v10, v9  }
0x215: {  	s4 =	sadd.s32 $0x10, s4;
	v10 =	vor.u32 $0x1, v11;
	v8 =	vor.u32 $0x60, v8;
	[tilespmem:s9+$0x0] =	vst v9  }
0x216: {  	[tilespmem:s4+$0x0] =	vst v8  }
0x217: {  	v9 =	vld.idx.msk [tilespmem:v11+s18+$0x0], $0xffff;
	_ =	sdelay $0x2  }
0x218: {  	v8 =	vld.idx.msk [tilespmem:v10+s18+$0x0], $0xffff;
	_ =	sdelay $0x2  }
0x219: {  	v9 =	vshll.u32 v9, $0x4  }
0x21a: {  	v9 =	vadd.s32 $0xFFFFFFFF, v9  }
0x21b: {  	v10 =	vshll.u32 v9, $0x1  }
0x21c: {  	v11 =	vshra.s32 v8, $0x1;
	v10 =	vand.u32 $0xFFFFFFC0, v10  }
0x21d: {  	v10 =	vadd.s32 v11, v10;
	_ =	sdelay $0x4  }
.Ltmp27:
0x21e: {  	v10 =	vld.idx.msk [tilespmem:v10+s19+$0x0], $0xffff;
	(pc) =	sbr.rel @p0 .LBB2_34-.Ltmp27, $3  }
0x21f: {  	_ =	sdelay $0x1  }
0x220: {  	v11 =	vmov s16  }
0x221: {  	s16 =	sadd.s32 $0x10, s16;
	v11 =	vshll.u32 v11, $0x1  }
0x222: {  	v11 =	vor.u32 v7, v11;
	v9 =	vshrl.u32 v9, $0x2  }
0x223: {  	v10 =	vshll.u32 v10, $0x3;
	v8 =	vshll.u32 v8, $0x4;
	v9 =	vand.u32 $0x7, v9  }
0x224: {  	s0 =	sadd.s32 $0x10, s9;
	v8 =	vand.u32 $0x10, v8;
	v9 =	vor.u32 v10, v9  }
0x225: {  	s2 =	sadd.s32 $0x10, s4;
	v61 =	vor.u32 $0x1, v11;
	v8 =	vor.u32 $0x60, v8;
	[tilespmem:s0+$0x0] =	vst v9  }
0x226: {  	[tilespmem:s2+$0x0] =	vst v8  }
0x227: {  	v8 =	vld.idx.msk [tilespmem:v11+s18+$0x0], $0xffff;
	_ =	sdelay $0x2  }
0x228: {  	v9 =	vld.idx.msk [tilespmem:v61+s18+$0x0], $0xffff;
	_ =	sdelay $0x1  }
0x229: {  	v8 =	vshll.u32 v8, $0x4  }
0x22a: {  	v8 =	vadd.s32 $0xFFFFFFFF, v8  }
0x22b: {  	v62 =	vshll.u32 v8, $0x1  }
0x22c: {  	v63 =	vshra.s32 v9, $0x1;
	v10 =	vand.u32 $0xFFFFFFC0, v62  }
0x22d: {  	v10 =	vadd.s32 v63, v10;
	_ =	sdelay $0x4  }
0x22e: {  	v10 =	vld.idx.msk [tilespmem:v10+s19+$0x0], $0xffff;
	_ =	sdelay $0x3  }
0x22f: {  	v8 =	vshrl.u32 v8, $0x2  }
0x230: {  	v9 =	vshll.u32 v9, $0x4;
	v8 =	vand.u32 $0x7, v8;
	v10 =	vshll.u32 v10, $0x3  }
0x231: {  	s0 =	sadd.s32 $0x10, s0;
	v9 =	vand.u32 $0x10, v9;
	v8 =	vor.u32 v10, v8  }
0x232: {  	s31 =	sadd.s32 $0x10, s2;
	[tilespmem:s0+$0x0] =	vst v8;
	v8 =	vor.u32 $0x60, v9  }
0x233: {  	[tilespmem:s31+$0x0] =	vst v8  }
0x234: {  	_ =	strace $0x9000004A  }
0x235: {  	s4 =	simm.s32 $0x0;
	_ =	strace $0x8000004B  }
.LBB2_36:
0x236: {  	s9 =	sshll.u32 s4, $0x7  }
0x237: {  	s0 =	sand.u32 $0x3FFFFF80, s9;
	s2 =	sadd.s32 $0x0, s9  }
0x238: {  	s29 =	rddreg [dreg:$0x5];
	s0 =	sadd.s32 $0x16680, s0;
	v8 =	vmov s2  }
0x239: {  	[tilespmem:s12], [sflag:$0x7] =	stream.indirect.gather [hbm4b:s29+s23], $0x80, s0, s23, $0x2000b8;
	[tilespmem:$0x1EA80] =	vst v63  }
0x23a: {  	_ =	swait.ge [sflag:s17], $0x4000  }
0x23b: {  	[sflag:s17] =	ssyncset.done $0x0  }
0x23c: {  	[sflag:s17] =	ssyncadd.s32 $0xFFFFC000  }
0x23d: {  	v8 =	vld.idx.msk [tilespmem:v8+s21+$0x0], $0xffff;
	_ =	sdelay $0x4  }
0x23e: {  	v8 =	vadd.s32 v2, v8  }
0x23f: {  	s30 =	simm.s32 $0x0;
	v9 =	vand.u32 $0xFFFFFF80, v8  }
0x240: {  	v8 =	vand.u32 $0x7F, v8;
	v9 =	vadd.s32 s30, v9  }
0x241: {  	v9 =	vor.u32 v8, v9;
	_ =	sdelay $0x4  }
0x242: {  	v10 =	vor.u32 s30, v7;
	v8 =	vor.u32 $0x1, v7;
	v9 =	vld.idx.msk [tilespmem:v9+s12+$0x0], $0xffff  }
0x243: {  	s31 =	sadd.s32 $0x1, s9;
	v11 =	vor.u32 s30, v8  }
0x244: {  	s16 =	simm.s32 $0x1;
	s22 =	simm.s32 $0x2;
	v12 =	vmov s31  }
.LBB2_37:
0x245: {  	p0 =	sne.s32 s22, $0x7F;
	_ =	sdelay $0x1  }
0x246: {  	[tilespmem:v10+s1+$0x0] =	vst.idx.msk $0xffff, v9  }
0x247: {  	[tilespmem:v11+s1+$0x0] =	vst.idx.msk $0xffff, v9  }
0x248: {  	v9 =	vld.idx.msk [tilespmem:v12+s21+$0x0], $0xffff;
	_ =	sdelay $0x5  }
0x249: {  	v9 =	vadd.s32 v2, v9  }
0x24a: {  	s0 =	sshll.u32 s16, $0x7;
	s16 =	smov.u32 s22;
	v10 =	vand.u32 $0xFFFFFF80, v9  }
0x24b: {  	v9 =	vand.u32 $0x7F, v9;
	v10 =	vadd.s32 s0, v10  }
0x24c: {  	v9 =	vor.u32 v9, v10;
	_ =	sdelay $0x3  }
.Ltmp28:
0x24d: {  	(pc) =	sbr.rel @p0 .LBB2_37-.Ltmp28, $4  }
0x24e: {  	v9 =	vld.idx.msk [tilespmem:v9+s12+$0x0], $0xffff  }
0x24f: {  	v10 =	vor.u32 s0, v7  }
0x250: {  	s2 =	sadd.s32 s9, s22;
	v11 =	vor.u32 s0, v8  }
0x251: {  	s22 =	sadd.s32 $0x1, s22;
	v12 =	vmov s2  }
0x252: {  	_ =	sdelay $0x3  }
0x253: {  	[tilespmem:v10+s1+$0x0] =	vst.idx.msk $0xffff, v9  }
0x254: {  	[tilespmem:v11+s1+$0x0] =	vst.idx.msk $0xffff, v9  }
0x255: {  	v9 =	vld.idx.msk [tilespmem:v12+s21+$0x0], $0xffff;
	_ =	sdelay $0x4  }
0x256: {  	v9 =	vadd.s32 v2, v9  }
0x257: {  	s0 =	sshll.u32 s16, $0x7;
	v62 =	vand.u32 $0xFFFFFF80, v9  }
0x258: {  	v9 =	vand.u32 $0x7F, v9;
	v10 =	vadd.s32 s0, v62  }
0x259: {  	v9 =	vor.u32 v9, v10;
	_ =	sdelay $0x4  }
0x25a: {  	v63 =	vor.u32 s0, v7;
	v9 =	vld.idx.msk [tilespmem:v9+s12+$0x0], $0xffff  }
0x25b: {  	v8 =	vor.u32 s0, v8;
	_ =	sdelay $0x2  }
0x25c: {  	s31 =	sadd.s32 s10, s9;
	s4 =	sadd.s32 $0x1, s4  }
0x25d: {  	s2 =	rddreg [dreg:$0x7];
	p0 =	sne.s32 s4, $0x4;
	s0 =	sshll.u32 s31, $0x4;
	[tilespmem:v63+s1+$0x0] =	vst.idx.msk $0xffff, v9  }
.Ltmp29:
0x25e: {  	s0 =	sadd.s32 s2, s0;
	[tilespmem:v8+s1+$0x0] =	vst.idx.msk $0xffff, v9;
	(pc) =	sbr.rel @p0 .LBB2_36-.Ltmp29, $4  }
0x25f: {  	[hbm4b:s0+s3] =	stream.linear.scatter [tilespmem:s1], [sflag:$0x8], $0x4000, $0x200038;
	[tilespmem:$0x1EA80] =	vst v63  }
0x260: {  	_ =	swait.ge [sflag:s20], $0x4000  }
0x261: {  	[sflag:s20] =	ssyncset.done $0x0  }
0x262: {  	[sflag:s20] =	ssyncadd.s32 $0xFFFFC000  }
0x263: {  	s2 =	rddreg [dreg:$0xc]  }
0x264: {  	s0 =	rddreg [dreg:$0xb];
	s2 =	sadd.s32 $0x1, s2  }
0x265: {  	p0 =	sne.s32 s2, s0  }
.Ltmp30:
0x266: {  	_ = 	snop;
	(pc) =	sbr.rel @p0 .LBB2_1-.Ltmp30, $2  }
0x267: {  	_ =	sdelay $0x2  }
0x268: {  	_ =	strace $0x9000004B;
	s22 =	smov.u32 s5  }
0x269: {  	_ =	sfence.sel $0x180000  }
0x26a: {  	[bflag:$0x0] =	sbarrier.arrive $0xFFFF  }
0x26b: {  	_ =	strace $0x90000047  }
0x26c: {  	s0 =	stileid.u32;
	[bflag:$0x2] =	sbarrier.arrive $0xFFFF  }
0x26d: {  	p0 =	sne.s32 s0, $0x0;
	s0 =	rddreg [dreg:$0x4]  }
0x26e: {  	s0 =	sadd.s32 @!p0 $0x100000, s0  }
0x26f: {  	[sflag:s0] =	ssyncadd.tile.s32 @!p0 $0x1;
	_ =	shalt  }
.Lfunc_end2:
_tile_overlayer_lowered:
.L_overlay_start_2:
0x270: {  	(tag) =	ssettag $0x2  }
0x271: {  	s0 =	rddreg [dreg:$0x0];
	s2 =	stileid.u32  }
0x272: {  	s1 =	rddreg [dreg:$0x1];
	p0 =	sne.s32 s2, $0x0  }
0x273: {  	s3 =	rddreg [dreg:$0x2];
	[bflag:$0x3] =	sbarrier.arrive $0xFFFF;
	s2 =	simm.s32 @!p0 $0x1C08  }
0x274: {  	[timem:s3], [sflag:s2] =	dma.local @!p0 [hbm:s0], s1  }
0x275: {  	s0 =	simm.s32 @!p0 $0x8  }
0x276: {  	_ =	swait.ge @!p0 [sflag:s0], s1  }
0x277: {  	s1 =	ssub.s32 @!p0 $0x0, s1;
	[sflag:s0] =	ssyncset.done @!p0 $0x0  }
0x278: {  	[sflag:s0] =	ssyncadd.s32 @!p0 s1  }
0x279: {  	[bflag:$0x3] =	sbarrier.arrive $0xFFFF  }
0x27a: {  	_ =	shalt  }

</sc_bundles>
